<compile_context>
chip_gen: v7x
topology: tpu7x:2x2x1
jax: 0.10.2.dev20260603
libtpu: 0.0.44.dev20260713+nightly
codegen_flags: <defaults>
</compile_context>

<pallas_src>
import functools

import jax
import jax.numpy as jnp
from jax import lax
from jax.experimental import pallas as pl
from jax.experimental.pallas import tpu as pltpu
from jax.experimental.pallas import tpu_sc as plsc

M = 8
R = 8
V = 100000
D = 64
B = 1024
T = 50
LORA_ALPHA = 16.0
SCALING = LORA_ALPHA / R

N = B * T
NC, NS = 2, 16
NW = NC * NS
B_PER_W = N // NW
HALF = B_PER_W // 2
CH = 128


def _tc_prep(weight, lora_a_flat):
    vt = 8192
    grid = (pl.cdiv(V, vt),)

    def body(w_ref, a_ref, eye_ref, out_ref):
        stacked = jnp.concatenate([w_ref[...], a_ref[...]], axis=0)
        out_ref[...] = lax.dot_general(
            stacked, eye_ref[...], (((0,), (0,)), ((), ())),
            preferred_element_type=jnp.float32)

    return pl.pallas_call(
        body,
        grid=grid,
        in_specs=[
            pl.BlockSpec((D, vt), lambda i: (0, i)),
            pl.BlockSpec((M * R, vt), lambda i: (0, i)),
            pl.BlockSpec((2 * D, 2 * D), lambda i: (0, 0)),
        ],
        out_specs=pl.BlockSpec((vt, 2 * D), lambda i: (i, 0)),
        out_shape=jax.ShapeDtypeStruct((V, 2 * D), jnp.float32),
    )(weight, lora_a_flat, jnp.eye(2 * D, dtype=jnp.float32))


T1 = T
T2 = T - T1


def _sc_gather(idx_flat, wc, off, nt, qch):
    mesh = plsc.VectorSubcoreMesh(core_axis_name="c", subcore_axis_name="s")
    per_w = nt * B // NW
    n_q = per_w // qch

    @functools.partial(
        pl.kernel,
        mesh=mesh,
        compiler_params=pltpu.CompilerParams(use_tc_tiling_on_sc=True),
        out_type=jax.ShapeDtypeStruct((nt * B, 2 * D), jnp.float32),
        scratch_types=[
            pltpu.VMEM((per_w,), jnp.int32),
            pltpu.VMEM((qch, 2 * D), jnp.float32),
            pltpu.VMEM((qch, 2 * D), jnp.float32),
            pltpu.SemaphoreType.DMA,
            pltpu.SemaphoreType.DMA,
        ],
    )
    def gather_kernel(idx_hbm, wc_hbm, g_hbm, idx_v, buf0, buf1, sem0, sem1):
        wid = lax.axis_index("s") * NC + lax.axis_index("c")
        base = wid * per_w
        pltpu.sync_copy(idx_hbm.at[pl.ds(off + base, per_w)], idx_v)
        bufs, sems = (buf0, buf1), (sem0, sem1)
        handles = [[] for _ in range(n_q)]
        for q in range(min(2, n_q)):
            for lo in range(0, qch, CH):
                sz = min(CH, qch - lo)
                handles[q].append(pltpu.async_copy(
                    wc_hbm.at[idx_v.at[pl.ds(q * qch + lo, sz)]],
                    bufs[q % 2].at[pl.ds(lo, sz)],
                    sems[q % 2],
                ))
        for q in range(n_q):
            for cp in handles[q]:
                cp.wait()
            pltpu.sync_copy(bufs[q % 2], g_hbm.at[pl.ds(base + q * qch, qch)])
            nq = q + 2
            if nq < n_q:
                for lo in range(0, qch, CH):
                    sz = min(CH, qch - lo)
                    handles[nq].append(pltpu.async_copy(
                        wc_hbm.at[idx_v.at[pl.ds(nq * qch + lo, sz)]],
                        bufs[nq % 2].at[pl.ds(lo, sz)],
                        sems[nq % 2],
                    ))

    return gather_kernel(idx_flat, wc)


TT = 5


def _tc_combine_first(g3, uft):

    def body(g_ref, u_ref, out_ref):
        for t in range(TT):
            g = g_ref[t]
            for m in range(M):
                out_ref[m, t] = lax.dot_general(
                    u_ref[m], g, (((1,), (1,)), ((), ())),
                    preferred_element_type=jnp.float32)

    return pl.pallas_call(
        body,
        grid=(T1 // TT,),
        in_specs=[
            pl.BlockSpec((TT, B, 2 * D), lambda i: (i, 0, 0)),
            pl.BlockSpec((M, D, 2 * D), lambda i: (0, 0, 0)),
        ],
        out_specs=pl.BlockSpec((M, TT, D, B), lambda i: (0, i, 0, 0)),
        out_shape=jax.ShapeDtypeStruct((M, T, D, B), jnp.float32),
    )(g3, uft)


def _tc_combine_second(prev, g3, uft):

    def body(prev_ref, g_ref, u_ref, out_ref):
        del prev_ref
        for t in range(TT):
            g = g_ref[t]
            for m in range(M):
                out_ref[m, t] = lax.dot_general(
                    u_ref[m], g, (((1,), (1,)), ((), ())),
                    preferred_element_type=jnp.float32)

    return pl.pallas_call(
        body,
        grid=(T2 // TT,),
        in_specs=[
            pl.BlockSpec(memory_space=pl.ANY),
            pl.BlockSpec((TT, B, 2 * D), lambda i: (i, 0, 0)),
            pl.BlockSpec((M, D, 2 * D), lambda i: (0, 0, 0)),
        ],
        out_specs=pl.BlockSpec((M, TT, D, B), lambda i: (0, i + T1 // TT, 0, 0)),
        out_shape=jax.ShapeDtypeStruct((M, T, D, B), jnp.float32),
        input_output_aliases={0: 0},
    )(prev, g3, uft)


def kernel(x, weight, lora_A, lora_B):
    idx_flat = jnp.swapaxes(x, 0, 1).reshape(N)
    wc = _tc_prep(jnp.transpose(weight), lora_A.reshape(M * R, V))
    g0 = _sc_gather(idx_flat, wc, 0, T1, 400)
    g1 = _sc_gather(idx_flat, wc, T1 * B, T2, 280) if T2 else None

    p = SCALING * jnp.transpose(lora_B, (0, 2, 1))
    p_tiled = jnp.tile(p, (1, M, 1))
    sel = (jnp.arange(M * R)[None, :, None] // R
           == jnp.arange(M)[:, None, None])
    p_big = jnp.where(sel, p_tiled, 0.0)
    eye = jnp.broadcast_to(jnp.eye(D, dtype=jnp.float32), (M, D, D))
    u = jnp.concatenate([eye, p_big], axis=1)
    uft = jnp.transpose(u, (0, 2, 1))

    out_a = _tc_combine_first(g0.reshape(T1, B, 2 * D), uft)
    out_phys = (_tc_combine_second(out_a, g1.reshape(T2, B, 2 * D), uft)
                if T2 else out_a)
    return jnp.transpose(out_phys, (0, 3, 1, 2))

# --- scband reference (transcript-rebuilt; emitter-appended) ---
"""Pipeline reference for scband-batched-embedding-64828236366062 (READ-ONLY COPY).

The authoritative reference and input builder live on the scoring server;
editing this copy changes nothing except your own understanding.
"""

import jax, jax.numpy as jnp
import numpy as np

M = 8
R = 8
V = 100000
D = 64
B = 1024
T = 50
LORA_ALPHA = 16.0
SCALING = LORA_ALPHA / R


def setup_inputs(seed: int = 0) -> dict:
    key = jax.random.key(seed)
    k1, k2, k3, k4 = jax.random.split(key, 4)
    x = jax.random.randint(k1, (B, T), 0, V, dtype=jnp.int32)
    weight = jax.random.normal(k2, (V, D), dtype=jnp.float32) * 0.02
    # torch init zeros lora_A, but we use random values so the LoRA path is numerically nontrivial
    lora_A = jax.random.normal(k3, (M, R, V), dtype=jnp.float32) * 0.02
    lora_B = jax.random.normal(k4, (M, D, R), dtype=jnp.float32) * 0.02
    return {"x": x, "weight": weight, "lora_A": lora_A, "lora_B": lora_B}


def reference(x, weight, lora_A, lora_B):
    # base embedding lookup: [B, T, D]
    base = jnp.take(weight, x, axis=0)
    # expand across the M adapter dimension: [M, B, T, D]
    base = jnp.broadcast_to(base[None, ...], (M,) + base.shape)
    # lora_A: [M, R, V] -> transpose to [M, V, R], then per-adapter embedding lookup
    A_t = jnp.transpose(lora_A, (0, 2, 1))
    after_A = jax.vmap(lambda w: jnp.take(w, x, axis=0))(A_t)  # [M, B, T, R]
    delta = jnp.einsum('mbtr,mdr->mbtd', after_A, lora_B)  # [M, B, T, D]
    return base + SCALING * delta


if False:  # reference __main__ guard neutralized (emitter)
    inp = setup_inputs()
    out = reference(**inp)
    print(out.shape, out.dtype)

if __name__ == "__main__":
    import jax
    _d = setup_inputs()
    print(jax.jit(kernel)(*tuple(_d.values())))

</pallas_src>

<mosaic_0001>
#map = affine_map<(d0, d1) -> (0)>
#map1 = affine_map<(d0, d1) -> (0, 0)>
module attributes {stable_mosaic.version = 14 : i64} {
  func.func @gather_kernel(%arg0: i32, %arg1: i32, %arg2: memref<51200xi32, #tpu.memory_space<hbm>>, %arg3: memref<100000x128xf32, #tpu.memory_space<hbm>>, %arg4: memref<51200x128xf32, #tpu.memory_space<hbm>>, %arg5: memref<1600xi32, #tpu.memory_space<vmem>>, %arg6: memref<400x128xf32, #tpu.memory_space<vmem>>, %arg7: memref<400x128xf32, #tpu.memory_space<vmem>>, %arg8: memref<!tpu.dma_semaphore, #tpu.memory_space<semaphore_mem>>, %arg9: memref<!tpu.dma_semaphore, #tpu.memory_space<semaphore_mem>>) attributes {dimension_semantics = [#tpu.dimension_semantics<core_parallel>, #tpu.dimension_semantics<subcore_parallel>], iteration_bounds = array<i64: 2, 16>, scalar_prefetch = 0 : i64, scratch_operands = 5 : i64, tpu.core_type = #tpu.core_type<sc_vector_subcore>, window_params = [{transform_indices = #map}, {transform_indices = #map1}, {transform_indices = #map1}]} {
    %mul3A = arith.constant 2 : i32
    %mul3A_0 = arith.muli %arg1, %mul3A : i32
    %add3A = arith.addi %mul3A_0, %arg0 : i32
    %mul3A_1 = arith.constant 1600 : i32
    %mul3A_2 = arith.muli %add3A, %mul3A_1 : i32
    %add3A_3 = arith.constant 0 : i32
    %add3A_4 = arith.addi %add3A_3, %mul3A_2 : i32
    "tpu.region"() ({
      %run_scoped3A = tpu.sem_alloc : memref<!tpu.dma_semaphore, #tpu.memory_space<semaphore_mem>>
      %dma_start3A_267 = tpu.memref_slice %arg2[%add3A_4] : memref<51200xi32, #tpu.memory_space<hbm>> -> memref<1600xi32, #tpu.memory_space<hbm>>
      %dma_start3A_268 = tpu.memref_slice %arg2[%add3A_4] : memref<51200xi32, #tpu.memory_space<hbm>> -> memref<1600xi32, #tpu.memory_space<hbm>>
      tpu.enqueue_dma source(%dma_start3A_268 : memref<1600xi32, #tpu.memory_space<hbm>>) target(%arg5 : memref<1600xi32, #tpu.memory_space<vmem>>) target_semaphore(%run_scoped3A : memref<!tpu.dma_semaphore, #tpu.memory_space<semaphore_mem>>)
      %dma_wait3A_269 = tpu.memref_slice %arg2[%add3A_4] : memref<51200xi32, #tpu.memory_space<hbm>> -> memref<1600xi32, #tpu.memory_space<hbm>>
      %dma_wait3A_270 = tpu.memref_slice %arg2[%add3A_4] : memref<51200xi32, #tpu.memory_space<hbm>> -> memref<1600xi32, #tpu.memory_space<hbm>>
      tpu.wait_dma2 semaphore(%run_scoped3A : memref<!tpu.dma_semaphore, #tpu.memory_space<semaphore_mem>>) src(%dma_wait3A_270 : memref<1600xi32, #tpu.memory_space<hbm>>) dst(%arg5 : memref<1600xi32, #tpu.memory_space<vmem>>)
      tpu.yield
    }) : () -> ()
    %dma_start3A = arith.constant 0 : i32
    %dma_start3A_5 = arith.constant 0 : i32
    %dma_start3A_6 = tpu.memref_slice %arg6[%dma_start3A, %dma_start3A_5] : memref<400x128xf32, #tpu.memory_space<vmem>> -> memref<128x128xf32, #tpu.memory_space<vmem>>
    %dma_start3A_7 = arith.constant 0 : i32
    %dma_start3A_8 = tpu.memref_slice %arg5[%dma_start3A_7] : memref<1600xi32, #tpu.memory_space<vmem>> -> memref<128xi32, #tpu.memory_space<vmem>>
    %dma_start3A_9 = arith.constant 0 : i32
    %dma_start3A_10 = arith.constant 0 : i32
    %dma_start3A_11 = tpu.memref_slice %arg3[%dma_start3A_9, %dma_start3A_10] : memref<100000x128xf32, #tpu.memory_space<hbm>> -> memref<100000x128xf32, #tpu.memory_space<hbm>>
    tpu.enqueue_indirect_dma source(%dma_start3A_11 : memref<100000x128xf32, #tpu.memory_space<hbm>>) target(%dma_start3A_6 : memref<128x128xf32, #tpu.memory_space<vmem>>) offsets(%dma_start3A_8 : memref<128xi32, #tpu.memory_space<vmem>>) semaphore(%arg8 : memref<!tpu.dma_semaphore, #tpu.memory_space<semaphore_mem>>)
    %dma_start3A_12 = arith.constant 128 : i32
    %dma_start3A_13 = arith.constant 0 : i32
    %dma_start3A_14 = tpu.memref_slice %arg6[%dma_start3A_12, %dma_start3A_13] : memref<400x128xf32, #tpu.memory_space<vmem>> -> memref<128x128xf32, #tpu.memory_space<vmem>>
    %dma_start3A_15 = arith.constant 128 : i32
    %dma_start3A_16 = tpu.memref_slice %arg5[%dma_start3A_15] : memref<1600xi32, #tpu.memory_space<vmem>> -> memref<128xi32, #tpu.memory_space<vmem>>
    %dma_start3A_17 = arith.constant 0 : i32
    %dma_start3A_18 = arith.constant 0 : i32
    %dma_start3A_19 = tpu.memref_slice %arg3[%dma_start3A_17, %dma_start3A_18] : memref<100000x128xf32, #tpu.memory_space<hbm>> -> memref<100000x128xf32, #tpu.memory_space<hbm>>
    tpu.enqueue_indirect_dma source(%dma_start3A_19 : memref<100000x128xf32, #tpu.memory_space<hbm>>) target(%dma_start3A_14 : memref<128x128xf32, #tpu.memory_space<vmem>>) offsets(%dma_start3A_16 : memref<128xi32, #tpu.memory_space<vmem>>) semaphore(%arg8 : memref<!tpu.dma_semaphore, #tpu.memory_space<semaphore_mem>>)
    %dma_start3A_20 = arith.constant 256 : i32
    %dma_start3A_21 = arith.constant 0 : i32
    %dma_start3A_22 = tpu.memref_slice %arg6[%dma_start3A_20, %dma_start3A_21] : memref<400x128xf32, #tpu.memory_space<vmem>> -> memref<128x128xf32, #tpu.memory_space<vmem>>
    %dma_start3A_23 = arith.constant 256 : i32
    %dma_start3A_24 = tpu.memref_slice %arg5[%dma_start3A_23] : memref<1600xi32, #tpu.memory_space<vmem>> -> memref<128xi32, #tpu.memory_space<vmem>>
    %dma_start3A_25 = arith.constant 0 : i32
    %dma_start3A_26 = arith.constant 0 : i32
    %dma_start3A_27 = tpu.memref_slice %arg3[%dma_start3A_25, %dma_start3A_26] : memref<100000x128xf32, #tpu.memory_space<hbm>> -> memref<100000x128xf32, #tpu.memory_space<hbm>>
    tpu.enqueue_indirect_dma source(%dma_start3A_27 : memref<100000x128xf32, #tpu.memory_space<hbm>>) target(%dma_start3A_22 : memref<128x128xf32, #tpu.memory_space<vmem>>) offsets(%dma_start3A_24 : memref<128xi32, #tpu.memory_space<vmem>>) semaphore(%arg8 : memref<!tpu.dma_semaphore, #tpu.memory_space<semaphore_mem>>)
    %dma_start3A_28 = arith.constant 384 : i32
    %dma_start3A_29 = arith.constant 0 : i32
    %dma_start3A_30 = tpu.memref_slice %arg6[%dma_start3A_28, %dma_start3A_29] : memref<400x128xf32, #tpu.memory_space<vmem>> -> memref<16x128xf32, #tpu.memory_space<vmem>>
    %dma_start3A_31 = arith.constant 384 : i32
    %dma_start3A_32 = tpu.memref_slice %arg5[%dma_start3A_31] : memref<1600xi32, #tpu.memory_space<vmem>> -> memref<16xi32, #tpu.memory_space<vmem>>
    %dma_start3A_33 = arith.constant 0 : i32
    %dma_start3A_34 = arith.constant 0 : i32
    %dma_start3A_35 = tpu.memref_slice %arg3[%dma_start3A_33, %dma_start3A_34] : memref<100000x128xf32, #tpu.memory_space<hbm>> -> memref<100000x128xf32, #tpu.memory_space<hbm>>
    tpu.enqueue_indirect_dma source(%dma_start3A_35 : memref<100000x128xf32, #tpu.memory_space<hbm>>) target(%dma_start3A_30 : memref<16x128xf32, #tpu.memory_space<vmem>>) offsets(%dma_start3A_32 : memref<16xi32, #tpu.memory_space<vmem>>) semaphore(%arg8 : memref<!tpu.dma_semaphore, #tpu.memory_space<semaphore_mem>>)
    %dma_start3A_36 = arith.constant 0 : i32
    %dma_start3A_37 = arith.constant 0 : i32
    %dma_start3A_38 = tpu.memref_slice %arg7[%dma_start3A_36, %dma_start3A_37] : memref<400x128xf32, #tpu.memory_space<vmem>> -> memref<128x128xf32, #tpu.memory_space<vmem>>
    %dma_start3A_39 = arith.constant 400 : i32
    %dma_start3A_40 = tpu.memref_slice %arg5[%dma_start3A_39] : memref<1600xi32, #tpu.memory_space<vmem>> -> memref<128xi32, #tpu.memory_space<vmem>>
    %dma_start3A_41 = arith.constant 0 : i32
    %dma_start3A_42 = arith.constant 0 : i32
    %dma_start3A_43 = tpu.memref_slice %arg3[%dma_start3A_41, %dma_start3A_42] : memref<100000x128xf32, #tpu.memory_space<hbm>> -> memref<100000x128xf32, #tpu.memory_space<hbm>>
    tpu.enqueue_indirect_dma source(%dma_start3A_43 : memref<100000x128xf32, #tpu.memory_space<hbm>>) target(%dma_start3A_38 : memref<128x128xf32, #tpu.memory_space<vmem>>) offsets(%dma_start3A_40 : memref<128xi32, #tpu.memory_space<vmem>>) semaphore(%arg9 : memref<!tpu.dma_semaphore, #tpu.memory_space<semaphore_mem>>)
    %dma_start3A_44 = arith.constant 128 : i32
    %dma_start3A_45 = arith.constant 0 : i32
    %dma_start3A_46 = tpu.memref_slice %arg7[%dma_start3A_44, %dma_start3A_45] : memref<400x128xf32, #tpu.memory_space<vmem>> -> memref<128x128xf32, #tpu.memory_space<vmem>>
    %dma_start3A_47 = arith.constant 528 : i32
    %dma_start3A_48 = tpu.memref_slice %arg5[%dma_start3A_47] : memref<1600xi32, #tpu.memory_space<vmem>> -> memref<128xi32, #tpu.memory_space<vmem>>
    %dma_start3A_49 = arith.constant 0 : i32
    %dma_start3A_50 = arith.constant 0 : i32
    %dma_start3A_51 = tpu.memref_slice %arg3[%dma_start3A_49, %dma_start3A_50] : memref<100000x128xf32, #tpu.memory_space<hbm>> -> memref<100000x128xf32, #tpu.memory_space<hbm>>
    tpu.enqueue_indirect_dma source(%dma_start3A_51 : memref<100000x128xf32, #tpu.memory_space<hbm>>) target(%dma_start3A_46 : memref<128x128xf32, #tpu.memory_space<vmem>>) offsets(%dma_start3A_48 : memref<128xi32, #tpu.memory_space<vmem>>) semaphore(%arg9 : memref<!tpu.dma_semaphore, #tpu.memory_space<semaphore_mem>>)
    %dma_start3A_52 = arith.constant 256 : i32
    %dma_start3A_53 = arith.constant 0 : i32
    %dma_start3A_54 = tpu.memref_slice %arg7[%dma_start3A_52, %dma_start3A_53] : memref<400x128xf32, #tpu.memory_space<vmem>> -> memref<128x128xf32, #tpu.memory_space<vmem>>
    %dma_start3A_55 = arith.constant 656 : i32
    %dma_start3A_56 = tpu.memref_slice %arg5[%dma_start3A_55] : memref<1600xi32, #tpu.memory_space<vmem>> -> memref<128xi32, #tpu.memory_space<vmem>>
    %dma_start3A_57 = arith.constant 0 : i32
    %dma_start3A_58 = arith.constant 0 : i32
    %dma_start3A_59 = tpu.memref_slice %arg3[%dma_start3A_57, %dma_start3A_58] : memref<100000x128xf32, #tpu.memory_space<hbm>> -> memref<100000x128xf32, #tpu.memory_space<hbm>>
    tpu.enqueue_indirect_dma source(%dma_start3A_59 : memref<100000x128xf32, #tpu.memory_space<hbm>>) target(%dma_start3A_54 : memref<128x128xf32, #tpu.memory_space<vmem>>) offsets(%dma_start3A_56 : memref<128xi32, #tpu.memory_space<vmem>>) semaphore(%arg9 : memref<!tpu.dma_semaphore, #tpu.memory_space<semaphore_mem>>)
    %dma_start3A_60 = arith.constant 384 : i32
    %dma_start3A_61 = arith.constant 0 : i32
    %dma_start3A_62 = tpu.memref_slice %arg7[%dma_start3A_60, %dma_start3A_61] : memref<400x128xf32, #tpu.memory_space<vmem>> -> memref<16x128xf32, #tpu.memory_space<vmem>>
    %dma_start3A_63 = arith.constant 784 : i32
    %dma_start3A_64 = tpu.memref_slice %arg5[%dma_start3A_63] : memref<1600xi32, #tpu.memory_space<vmem>> -> memref<16xi32, #tpu.memory_space<vmem>>
    %dma_start3A_65 = arith.constant 0 : i32
    %dma_start3A_66 = arith.constant 0 : i32
    %dma_start3A_67 = tpu.memref_slice %arg3[%dma_start3A_65, %dma_start3A_66] : memref<100000x128xf32, #tpu.memory_space<hbm>> -> memref<100000x128xf32, #tpu.memory_space<hbm>>
    tpu.enqueue_indirect_dma source(%dma_start3A_67 : memref<100000x128xf32, #tpu.memory_space<hbm>>) target(%dma_start3A_62 : memref<16x128xf32, #tpu.memory_space<vmem>>) offsets(%dma_start3A_64 : memref<16xi32, #tpu.memory_space<vmem>>) semaphore(%arg9 : memref<!tpu.dma_semaphore, #tpu.memory_space<semaphore_mem>>)
    %dma_wait3A = arith.constant 0 : i32
    %dma_wait3A_68 = arith.constant 0 : i32
    %dma_wait3A_69 = tpu.memref_slice %arg6[%dma_wait3A, %dma_wait3A_68] : memref<400x128xf32, #tpu.memory_space<vmem>> -> memref<128x128xf32, #tpu.memory_space<vmem>>
    %dma_wait3A_70 = arith.constant 0 : i32
    %dma_wait3A_71 = tpu.memref_slice %arg5[%dma_wait3A_70] : memref<1600xi32, #tpu.memory_space<vmem>> -> memref<128xi32, #tpu.memory_space<vmem>>
    %dma_wait3A_72 = arith.constant 0 : i32
    %dma_wait3A_73 = arith.constant 0 : i32
    %dma_wait3A_74 = tpu.memref_slice %arg3[%dma_wait3A_72, %dma_wait3A_73] : memref<100000x128xf32, #tpu.memory_space<hbm>> -> memref<100000x128xf32, #tpu.memory_space<hbm>>
    tpu.wait_indirect_dma semaphore(%arg8 : memref<!tpu.dma_semaphore, #tpu.memory_space<semaphore_mem>>) src(%dma_wait3A_74 : memref<100000x128xf32, #tpu.memory_space<hbm>>) dst(%dma_wait3A_69 : memref<128x128xf32, #tpu.memory_space<vmem>>)
    %dma_wait3A_75 = arith.constant 128 : i32
    %dma_wait3A_76 = arith.constant 0 : i32
    %dma_wait3A_77 = tpu.memref_slice %arg6[%dma_wait3A_75, %dma_wait3A_76] : memref<400x128xf32, #tpu.memory_space<vmem>> -> memref<128x128xf32, #tpu.memory_space<vmem>>
    %dma_wait3A_78 = arith.constant 128 : i32
    %dma_wait3A_79 = tpu.memref_slice %arg5[%dma_wait3A_78] : memref<1600xi32, #tpu.memory_space<vmem>> -> memref<128xi32, #tpu.memory_space<vmem>>
    %dma_wait3A_80 = arith.constant 0 : i32
    %dma_wait3A_81 = arith.constant 0 : i32
    %dma_wait3A_82 = tpu.memref_slice %arg3[%dma_wait3A_80, %dma_wait3A_81] : memref<100000x128xf32, #tpu.memory_space<hbm>> -> memref<100000x128xf32, #tpu.memory_space<hbm>>
    tpu.wait_indirect_dma semaphore(%arg8 : memref<!tpu.dma_semaphore, #tpu.memory_space<semaphore_mem>>) src(%dma_wait3A_82 : memref<100000x128xf32, #tpu.memory_space<hbm>>) dst(%dma_wait3A_77 : memref<128x128xf32, #tpu.memory_space<vmem>>)
    %dma_wait3A_83 = arith.constant 256 : i32
    %dma_wait3A_84 = arith.constant 0 : i32
    %dma_wait3A_85 = tpu.memref_slice %arg6[%dma_wait3A_83, %dma_wait3A_84] : memref<400x128xf32, #tpu.memory_space<vmem>> -> memref<128x128xf32, #tpu.memory_space<vmem>>
    %dma_wait3A_86 = arith.constant 256 : i32
    %dma_wait3A_87 = tpu.memref_slice %arg5[%dma_wait3A_86] : memref<1600xi32, #tpu.memory_space<vmem>> -> memref<128xi32, #tpu.memory_space<vmem>>
    %dma_wait3A_88 = arith.constant 0 : i32
    %dma_wait3A_89 = arith.constant 0 : i32
    %dma_wait3A_90 = tpu.memref_slice %arg3[%dma_wait3A_88, %dma_wait3A_89] : memref<100000x128xf32, #tpu.memory_space<hbm>> -> memref<100000x128xf32, #tpu.memory_space<hbm>>
    tpu.wait_indirect_dma semaphore(%arg8 : memref<!tpu.dma_semaphore, #tpu.memory_space<semaphore_mem>>) src(%dma_wait3A_90 : memref<100000x128xf32, #tpu.memory_space<hbm>>) dst(%dma_wait3A_85 : memref<128x128xf32, #tpu.memory_space<vmem>>)
    %dma_wait3A_91 = arith.constant 384 : i32
    %dma_wait3A_92 = arith.constant 0 : i32
    %dma_wait3A_93 = tpu.memref_slice %arg6[%dma_wait3A_91, %dma_wait3A_92] : memref<400x128xf32, #tpu.memory_space<vmem>> -> memref<16x128xf32, #tpu.memory_space<vmem>>
    %dma_wait3A_94 = arith.constant 384 : i32
    %dma_wait3A_95 = tpu.memref_slice %arg5[%dma_wait3A_94] : memref<1600xi32, #tpu.memory_space<vmem>> -> memref<16xi32, #tpu.memory_space<vmem>>
    %dma_wait3A_96 = arith.constant 0 : i32
    %dma_wait3A_97 = arith.constant 0 : i32
    %dma_wait3A_98 = tpu.memref_slice %arg3[%dma_wait3A_96, %dma_wait3A_97] : memref<100000x128xf32, #tpu.memory_space<hbm>> -> memref<100000x128xf32, #tpu.memory_space<hbm>>
    tpu.wait_indirect_dma semaphore(%arg8 : memref<!tpu.dma_semaphore, #tpu.memory_space<semaphore_mem>>) src(%dma_wait3A_98 : memref<100000x128xf32, #tpu.memory_space<hbm>>) dst(%dma_wait3A_93 : memref<16x128xf32, #tpu.memory_space<vmem>>)
    %add3A_99 = arith.constant 0 : i32
    %add3A_100 = arith.addi %mul3A_2, %add3A_99 : i32
    "tpu.region"() ({
      %run_scoped3A = tpu.sem_alloc : memref<!tpu.dma_semaphore, #tpu.memory_space<semaphore_mem>>
      %dma_start3A_267 = arith.constant 0 : i32
      %dma_start3A_268 = tpu.memref_slice %arg4[%add3A_100, %dma_start3A_267] : memref<51200x128xf32, #tpu.memory_space<hbm>> -> memref<400x128xf32, #tpu.memory_space<hbm>>
      %dma_start3A_269 = arith.constant 0 : i32
      %dma_start3A_270 = tpu.memref_slice %arg4[%add3A_100, %dma_start3A_269] : memref<51200x128xf32, #tpu.memory_space<hbm>> -> memref<400x128xf32, #tpu.memory_space<hbm>>
      tpu.enqueue_dma source(%arg6 : memref<400x128xf32, #tpu.memory_space<vmem>>) target(%dma_start3A_270 : memref<400x128xf32, #tpu.memory_space<hbm>>) target_semaphore(%run_scoped3A : memref<!tpu.dma_semaphore, #tpu.memory_space<semaphore_mem>>)
      %dma_wait3A_271 = arith.constant 0 : i32
      %dma_wait3A_272 = tpu.memref_slice %arg4[%add3A_100, %dma_wait3A_271] : memref<51200x128xf32, #tpu.memory_space<hbm>> -> memref<400x128xf32, #tpu.memory_space<hbm>>
      %dma_wait3A_273 = arith.constant 0 : i32
      %dma_wait3A_274 = tpu.memref_slice %arg4[%add3A_100, %dma_wait3A_273] : memref<51200x128xf32, #tpu.memory_space<hbm>> -> memref<400x128xf32, #tpu.memory_space<hbm>>
      tpu.wait_dma2 semaphore(%run_scoped3A : memref<!tpu.dma_semaphore, #tpu.memory_space<semaphore_mem>>) src(%arg6 : memref<400x128xf32, #tpu.memory_space<vmem>>) dst(%dma_wait3A_274 : memref<400x128xf32, #tpu.memory_space<hbm>>)
      tpu.yield
    }) : () -> ()
    %dma_start3A_101 = arith.constant 0 : i32
    %dma_start3A_102 = arith.constant 0 : i32
    %dma_start3A_103 = tpu.memref_slice %arg6[%dma_start3A_101, %dma_start3A_102] : memref<400x128xf32, #tpu.memory_space<vmem>> -> memref<128x128xf32, #tpu.memory_space<vmem>>
    %dma_start3A_104 = arith.constant 800 : i32
    %dma_start3A_105 = tpu.memref_slice %arg5[%dma_start3A_104] : memref<1600xi32, #tpu.memory_space<vmem>> -> memref<128xi32, #tpu.memory_space<vmem>>
    %dma_start3A_106 = arith.constant 0 : i32
    %dma_start3A_107 = arith.constant 0 : i32
    %dma_start3A_108 = tpu.memref_slice %arg3[%dma_start3A_106, %dma_start3A_107] : memref<100000x128xf32, #tpu.memory_space<hbm>> -> memref<100000x128xf32, #tpu.memory_space<hbm>>
    tpu.enqueue_indirect_dma source(%dma_start3A_108 : memref<100000x128xf32, #tpu.memory_space<hbm>>) target(%dma_start3A_103 : memref<128x128xf32, #tpu.memory_space<vmem>>) offsets(%dma_start3A_105 : memref<128xi32, #tpu.memory_space<vmem>>) semaphore(%arg8 : memref<!tpu.dma_semaphore, #tpu.memory_space<semaphore_mem>>)
    %dma_start3A_109 = arith.constant 128 : i32
    %dma_start3A_110 = arith.constant 0 : i32
    %dma_start3A_111 = tpu.memref_slice %arg6[%dma_start3A_109, %dma_start3A_110] : memref<400x128xf32, #tpu.memory_space<vmem>> -> memref<128x128xf32, #tpu.memory_space<vmem>>
    %dma_start3A_112 = arith.constant 928 : i32
    %dma_start3A_113 = tpu.memref_slice %arg5[%dma_start3A_112] : memref<1600xi32, #tpu.memory_space<vmem>> -> memref<128xi32, #tpu.memory_space<vmem>>
    %dma_start3A_114 = arith.constant 0 : i32
    %dma_start3A_115 = arith.constant 0 : i32
    %dma_start3A_116 = tpu.memref_slice %arg3[%dma_start3A_114, %dma_start3A_115] : memref<100000x128xf32, #tpu.memory_space<hbm>> -> memref<100000x128xf32, #tpu.memory_space<hbm>>
    tpu.enqueue_indirect_dma source(%dma_start3A_116 : memref<100000x128xf32, #tpu.memory_space<hbm>>) target(%dma_start3A_111 : memref<128x128xf32, #tpu.memory_space<vmem>>) offsets(%dma_start3A_113 : memref<128xi32, #tpu.memory_space<vmem>>) semaphore(%arg8 : memref<!tpu.dma_semaphore, #tpu.memory_space<semaphore_mem>>)
    %dma_start3A_117 = arith.constant 256 : i32
    %dma_start3A_118 = arith.constant 0 : i32
    %dma_start3A_119 = tpu.memref_slice %arg6[%dma_start3A_117, %dma_start3A_118] : memref<400x128xf32, #tpu.memory_space<vmem>> -> memref<128x128xf32, #tpu.memory_space<vmem>>
    %dma_start3A_120 = arith.constant 1056 : i32
    %dma_start3A_121 = tpu.memref_slice %arg5[%dma_start3A_120] : memref<1600xi32, #tpu.memory_space<vmem>> -> memref<128xi32, #tpu.memory_space<vmem>>
    %dma_start3A_122 = arith.constant 0 : i32
    %dma_start3A_123 = arith.constant 0 : i32
    %dma_start3A_124 = tpu.memref_slice %arg3[%dma_start3A_122, %dma_start3A_123] : memref<100000x128xf32, #tpu.memory_space<hbm>> -> memref<100000x128xf32, #tpu.memory_space<hbm>>
    tpu.enqueue_indirect_dma source(%dma_start3A_124 : memref<100000x128xf32, #tpu.memory_space<hbm>>) target(%dma_start3A_119 : memref<128x128xf32, #tpu.memory_space<vmem>>) offsets(%dma_start3A_121 : memref<128xi32, #tpu.memory_space<vmem>>) semaphore(%arg8 : memref<!tpu.dma_semaphore, #tpu.memory_space<semaphore_mem>>)
    %dma_start3A_125 = arith.constant 384 : i32
    %dma_start3A_126 = arith.constant 0 : i32
    %dma_start3A_127 = tpu.memref_slice %arg6[%dma_start3A_125, %dma_start3A_126] : memref<400x128xf32, #tpu.memory_space<vmem>> -> memref<16x128xf32, #tpu.memory_space<vmem>>
    %dma_start3A_128 = arith.constant 1184 : i32
    %dma_start3A_129 = tpu.memref_slice %arg5[%dma_start3A_128] : memref<1600xi32, #tpu.memory_space<vmem>> -> memref<16xi32, #tpu.memory_space<vmem>>
    %dma_start3A_130 = arith.constant 0 : i32
    %dma_start3A_131 = arith.constant 0 : i32
    %dma_start3A_132 = tpu.memref_slice %arg3[%dma_start3A_130, %dma_start3A_131] : memref<100000x128xf32, #tpu.memory_space<hbm>> -> memref<100000x128xf32, #tpu.memory_space<hbm>>
    tpu.enqueue_indirect_dma source(%dma_start3A_132 : memref<100000x128xf32, #tpu.memory_space<hbm>>) target(%dma_start3A_127 : memref<16x128xf32, #tpu.memory_space<vmem>>) offsets(%dma_start3A_129 : memref<16xi32, #tpu.memory_space<vmem>>) semaphore(%arg8 : memref<!tpu.dma_semaphore, #tpu.memory_space<semaphore_mem>>)
    %dma_wait3A_133 = arith.constant 0 : i32
    %dma_wait3A_134 = arith.constant 0 : i32
    %dma_wait3A_135 = tpu.memref_slice %arg7[%dma_wait3A_133, %dma_wait3A_134] : memref<400x128xf32, #tpu.memory_space<vmem>> -> memref<128x128xf32, #tpu.memory_space<vmem>>
    %dma_wait3A_136 = arith.constant 400 : i32
    %dma_wait3A_137 = tpu.memref_slice %arg5[%dma_wait3A_136] : memref<1600xi32, #tpu.memory_space<vmem>> -> memref<128xi32, #tpu.memory_space<vmem>>
    %dma_wait3A_138 = arith.constant 0 : i32
    %dma_wait3A_139 = arith.constant 0 : i32
    %dma_wait3A_140 = tpu.memref_slice %arg3[%dma_wait3A_138, %dma_wait3A_139] : memref<100000x128xf32, #tpu.memory_space<hbm>> -> memref<100000x128xf32, #tpu.memory_space<hbm>>
    tpu.wait_indirect_dma semaphore(%arg9 : memref<!tpu.dma_semaphore, #tpu.memory_space<semaphore_mem>>) src(%dma_wait3A_140 : memref<100000x128xf32, #tpu.memory_space<hbm>>) dst(%dma_wait3A_135 : memref<128x128xf32, #tpu.memory_space<vmem>>)
    %dma_wait3A_141 = arith.constant 128 : i32
    %dma_wait3A_142 = arith.constant 0 : i32
    %dma_wait3A_143 = tpu.memref_slice %arg7[%dma_wait3A_141, %dma_wait3A_142] : memref<400x128xf32, #tpu.memory_space<vmem>> -> memref<128x128xf32, #tpu.memory_space<vmem>>
    %dma_wait3A_144 = arith.constant 528 : i32
    %dma_wait3A_145 = tpu.memref_slice %arg5[%dma_wait3A_144] : memref<1600xi32, #tpu.memory_space<vmem>> -> memref<128xi32, #tpu.memory_space<vmem>>
    %dma_wait3A_146 = arith.constant 0 : i32
    %dma_wait3A_147 = arith.constant 0 : i32
    %dma_wait3A_148 = tpu.memref_slice %arg3[%dma_wait3A_146, %dma_wait3A_147] : memref<100000x128xf32, #tpu.memory_space<hbm>> -> memref<100000x128xf32, #tpu.memory_space<hbm>>
    tpu.wait_indirect_dma semaphore(%arg9 : memref<!tpu.dma_semaphore, #tpu.memory_space<semaphore_mem>>) src(%dma_wait3A_148 : memref<100000x128xf32, #tpu.memory_space<hbm>>) dst(%dma_wait3A_143 : memref<128x128xf32, #tpu.memory_space<vmem>>)
    %dma_wait3A_149 = arith.constant 256 : i32
    %dma_wait3A_150 = arith.constant 0 : i32
    %dma_wait3A_151 = tpu.memref_slice %arg7[%dma_wait3A_149, %dma_wait3A_150] : memref<400x128xf32, #tpu.memory_space<vmem>> -> memref<128x128xf32, #tpu.memory_space<vmem>>
    %dma_wait3A_152 = arith.constant 656 : i32
    %dma_wait3A_153 = tpu.memref_slice %arg5[%dma_wait3A_152] : memref<1600xi32, #tpu.memory_space<vmem>> -> memref<128xi32, #tpu.memory_space<vmem>>
    %dma_wait3A_154 = arith.constant 0 : i32
    %dma_wait3A_155 = arith.constant 0 : i32
    %dma_wait3A_156 = tpu.memref_slice %arg3[%dma_wait3A_154, %dma_wait3A_155] : memref<100000x128xf32, #tpu.memory_space<hbm>> -> memref<100000x128xf32, #tpu.memory_space<hbm>>
    tpu.wait_indirect_dma semaphore(%arg9 : memref<!tpu.dma_semaphore, #tpu.memory_space<semaphore_mem>>) src(%dma_wait3A_156 : memref<100000x128xf32, #tpu.memory_space<hbm>>) dst(%dma_wait3A_151 : memref<128x128xf32, #tpu.memory_space<vmem>>)
    %dma_wait3A_157 = arith.constant 384 : i32
    %dma_wait3A_158 = arith.constant 0 : i32
    %dma_wait3A_159 = tpu.memref_slice %arg7[%dma_wait3A_157, %dma_wait3A_158] : memref<400x128xf32, #tpu.memory_space<vmem>> -> memref<16x128xf32, #tpu.memory_space<vmem>>
    %dma_wait3A_160 = arith.constant 784 : i32
    %dma_wait3A_161 = tpu.memref_slice %arg5[%dma_wait3A_160] : memref<1600xi32, #tpu.memory_space<vmem>> -> memref<16xi32, #tpu.memory_space<vmem>>
    %dma_wait3A_162 = arith.constant 0 : i32
    %dma_wait3A_163 = arith.constant 0 : i32
    %dma_wait3A_164 = tpu.memref_slice %arg3[%dma_wait3A_162, %dma_wait3A_163] : memref<100000x128xf32, #tpu.memory_space<hbm>> -> memref<100000x128xf32, #tpu.memory_space<hbm>>
    tpu.wait_indirect_dma semaphore(%arg9 : memref<!tpu.dma_semaphore, #tpu.memory_space<semaphore_mem>>) src(%dma_wait3A_164 : memref<100000x128xf32, #tpu.memory_space<hbm>>) dst(%dma_wait3A_159 : memref<16x128xf32, #tpu.memory_space<vmem>>)
    %add3A_165 = arith.constant 400 : i32
    %add3A_166 = arith.addi %mul3A_2, %add3A_165 : i32
    "tpu.region"() ({
      %run_scoped3A = tpu.sem_alloc : memref<!tpu.dma_semaphore, #tpu.memory_space<semaphore_mem>>
      %dma_start3A_267 = arith.constant 0 : i32
      %dma_start3A_268 = tpu.memref_slice %arg4[%add3A_166, %dma_start3A_267] : memref<51200x128xf32, #tpu.memory_space<hbm>> -> memref<400x128xf32, #tpu.memory_space<hbm>>
      %dma_start3A_269 = arith.constant 0 : i32
      %dma_start3A_270 = tpu.memref_slice %arg4[%add3A_166, %dma_start3A_269] : memref<51200x128xf32, #tpu.memory_space<hbm>> -> memref<400x128xf32, #tpu.memory_space<hbm>>
      tpu.enqueue_dma source(%arg7 : memref<400x128xf32, #tpu.memory_space<vmem>>) target(%dma_start3A_270 : memref<400x128xf32, #tpu.memory_space<hbm>>) target_semaphore(%run_scoped3A : memref<!tpu.dma_semaphore, #tpu.memory_space<semaphore_mem>>)
      %dma_wait3A_271 = arith.constant 0 : i32
      %dma_wait3A_272 = tpu.memref_slice %arg4[%add3A_166, %dma_wait3A_271] : memref<51200x128xf32, #tpu.memory_space<hbm>> -> memref<400x128xf32, #tpu.memory_space<hbm>>
      %dma_wait3A_273 = arith.constant 0 : i32
      %dma_wait3A_274 = tpu.memref_slice %arg4[%add3A_166, %dma_wait3A_273] : memref<51200x128xf32, #tpu.memory_space<hbm>> -> memref<400x128xf32, #tpu.memory_space<hbm>>
      tpu.wait_dma2 semaphore(%run_scoped3A : memref<!tpu.dma_semaphore, #tpu.memory_space<semaphore_mem>>) src(%arg7 : memref<400x128xf32, #tpu.memory_space<vmem>>) dst(%dma_wait3A_274 : memref<400x128xf32, #tpu.memory_space<hbm>>)
      tpu.yield
    }) : () -> ()
    %dma_start3A_167 = arith.constant 0 : i32
    %dma_start3A_168 = arith.constant 0 : i32
    %dma_start3A_169 = tpu.memref_slice %arg7[%dma_start3A_167, %dma_start3A_168] : memref<400x128xf32, #tpu.memory_space<vmem>> -> memref<128x128xf32, #tpu.memory_space<vmem>>
    %dma_start3A_170 = arith.constant 1200 : i32
    %dma_start3A_171 = tpu.memref_slice %arg5[%dma_start3A_170] : memref<1600xi32, #tpu.memory_space<vmem>> -> memref<128xi32, #tpu.memory_space<vmem>>
    %dma_start3A_172 = arith.constant 0 : i32
    %dma_start3A_173 = arith.constant 0 : i32
    %dma_start3A_174 = tpu.memref_slice %arg3[%dma_start3A_172, %dma_start3A_173] : memref<100000x128xf32, #tpu.memory_space<hbm>> -> memref<100000x128xf32, #tpu.memory_space<hbm>>
    tpu.enqueue_indirect_dma source(%dma_start3A_174 : memref<100000x128xf32, #tpu.memory_space<hbm>>) target(%dma_start3A_169 : memref<128x128xf32, #tpu.memory_space<vmem>>) offsets(%dma_start3A_171 : memref<128xi32, #tpu.memory_space<vmem>>) semaphore(%arg9 : memref<!tpu.dma_semaphore, #tpu.memory_space<semaphore_mem>>)
    %dma_start3A_175 = arith.constant 128 : i32
    %dma_start3A_176 = arith.constant 0 : i32
    %dma_start3A_177 = tpu.memref_slice %arg7[%dma_start3A_175, %dma_start3A_176] : memref<400x128xf32, #tpu.memory_space<vmem>> -> memref<128x128xf32, #tpu.memory_space<vmem>>
    %dma_start3A_178 = arith.constant 1328 : i32
    %dma_start3A_179 = tpu.memref_slice %arg5[%dma_start3A_178] : memref<1600xi32, #tpu.memory_space<vmem>> -> memref<128xi32, #tpu.memory_space<vmem>>
    %dma_start3A_180 = arith.constant 0 : i32
    %dma_start3A_181 = arith.constant 0 : i32
    %dma_start3A_182 = tpu.memref_slice %arg3[%dma_start3A_180, %dma_start3A_181] : memref<100000x128xf32, #tpu.memory_space<hbm>> -> memref<100000x128xf32, #tpu.memory_space<hbm>>
    tpu.enqueue_indirect_dma source(%dma_start3A_182 : memref<100000x128xf32, #tpu.memory_space<hbm>>) target(%dma_start3A_177 : memref<128x128xf32, #tpu.memory_space<vmem>>) offsets(%dma_start3A_179 : memref<128xi32, #tpu.memory_space<vmem>>) semaphore(%arg9 : memref<!tpu.dma_semaphore, #tpu.memory_space<semaphore_mem>>)
    %dma_start3A_183 = arith.constant 256 : i32
    %dma_start3A_184 = arith.constant 0 : i32
    %dma_start3A_185 = tpu.memref_slice %arg7[%dma_start3A_183, %dma_start3A_184] : memref<400x128xf32, #tpu.memory_space<vmem>> -> memref<128x128xf32, #tpu.memory_space<vmem>>
    %dma_start3A_186 = arith.constant 1456 : i32
    %dma_start3A_187 = tpu.memref_slice %arg5[%dma_start3A_186] : memref<1600xi32, #tpu.memory_space<vmem>> -> memref<128xi32, #tpu.memory_space<vmem>>
    %dma_start3A_188 = arith.constant 0 : i32
    %dma_start3A_189 = arith.constant 0 : i32
    %dma_start3A_190 = tpu.memref_slice %arg3[%dma_start3A_188, %dma_start3A_189] : memref<100000x128xf32, #tpu.memory_space<hbm>> -> memref<100000x128xf32, #tpu.memory_space<hbm>>
    tpu.enqueue_indirect_dma source(%dma_start3A_190 : memref<100000x128xf32, #tpu.memory_space<hbm>>) target(%dma_start3A_185 : memref<128x128xf32, #tpu.memory_space<vmem>>) offsets(%dma_start3A_187 : memref<128xi32, #tpu.memory_space<vmem>>) semaphore(%arg9 : memref<!tpu.dma_semaphore, #tpu.memory_space<semaphore_mem>>)
    %dma_start3A_191 = arith.constant 384 : i32
    %dma_start3A_192 = arith.constant 0 : i32
    %dma_start3A_193 = tpu.memref_slice %arg7[%dma_start3A_191, %dma_start3A_192] : memref<400x128xf32, #tpu.memory_space<vmem>> -> memref<16x128xf32, #tpu.memory_space<vmem>>
    %dma_start3A_194 = arith.constant 1584 : i32
    %dma_start3A_195 = tpu.memref_slice %arg5[%dma_start3A_194] : memref<1600xi32, #tpu.memory_space<vmem>> -> memref<16xi32, #tpu.memory_space<vmem>>
    %dma_start3A_196 = arith.constant 0 : i32
    %dma_start3A_197 = arith.constant 0 : i32
    %dma_start3A_198 = tpu.memref_slice %arg3[%dma_start3A_196, %dma_start3A_197] : memref<100000x128xf32, #tpu.memory_space<hbm>> -> memref<100000x128xf32, #tpu.memory_space<hbm>>
    tpu.enqueue_indirect_dma source(%dma_start3A_198 : memref<100000x128xf32, #tpu.memory_space<hbm>>) target(%dma_start3A_193 : memref<16x128xf32, #tpu.memory_space<vmem>>) offsets(%dma_start3A_195 : memref<16xi32, #tpu.memory_space<vmem>>) semaphore(%arg9 : memref<!tpu.dma_semaphore, #tpu.memory_space<semaphore_mem>>)
    %dma_wait3A_199 = arith.constant 0 : i32
    %dma_wait3A_200 = arith.constant 0 : i32
    %dma_wait3A_201 = tpu.memref_slice %arg6[%dma_wait3A_199, %dma_wait3A_200] : memref<400x128xf32, #tpu.memory_space<vmem>> -> memref<128x128xf32, #tpu.memory_space<vmem>>
    %dma_wait3A_202 = arith.constant 800 : i32
    %dma_wait3A_203 = tpu.memref_slice %arg5[%dma_wait3A_202] : memref<1600xi32, #tpu.memory_space<vmem>> -> memref<128xi32, #tpu.memory_space<vmem>>
    %dma_wait3A_204 = arith.constant 0 : i32
    %dma_wait3A_205 = arith.constant 0 : i32
    %dma_wait3A_206 = tpu.memref_slice %arg3[%dma_wait3A_204, %dma_wait3A_205] : memref<100000x128xf32, #tpu.memory_space<hbm>> -> memref<100000x128xf32, #tpu.memory_space<hbm>>
    tpu.wait_indirect_dma semaphore(%arg8 : memref<!tpu.dma_semaphore, #tpu.memory_space<semaphore_mem>>) src(%dma_wait3A_206 : memref<100000x128xf32, #tpu.memory_space<hbm>>) dst(%dma_wait3A_201 : memref<128x128xf32, #tpu.memory_space<vmem>>)
    %dma_wait3A_207 = arith.constant 128 : i32
    %dma_wait3A_208 = arith.constant 0 : i32
    %dma_wait3A_209 = tpu.memref_slice %arg6[%dma_wait3A_207, %dma_wait3A_208] : memref<400x128xf32, #tpu.memory_space<vmem>> -> memref<128x128xf32, #tpu.memory_space<vmem>>
    %dma_wait3A_210 = arith.constant 928 : i32
    %dma_wait3A_211 = tpu.memref_slice %arg5[%dma_wait3A_210] : memref<1600xi32, #tpu.memory_space<vmem>> -> memref<128xi32, #tpu.memory_space<vmem>>
    %dma_wait3A_212 = arith.constant 0 : i32
    %dma_wait3A_213 = arith.constant 0 : i32
    %dma_wait3A_214 = tpu.memref_slice %arg3[%dma_wait3A_212, %dma_wait3A_213] : memref<100000x128xf32, #tpu.memory_space<hbm>> -> memref<100000x128xf32, #tpu.memory_space<hbm>>
    tpu.wait_indirect_dma semaphore(%arg8 : memref<!tpu.dma_semaphore, #tpu.memory_space<semaphore_mem>>) src(%dma_wait3A_214 : memref<100000x128xf32, #tpu.memory_space<hbm>>) dst(%dma_wait3A_209 : memref<128x128xf32, #tpu.memory_space<vmem>>)
    %dma_wait3A_215 = arith.constant 256 : i32
    %dma_wait3A_216 = arith.constant 0 : i32
    %dma_wait3A_217 = tpu.memref_slice %arg6[%dma_wait3A_215, %dma_wait3A_216] : memref<400x128xf32, #tpu.memory_space<vmem>> -> memref<128x128xf32, #tpu.memory_space<vmem>>
    %dma_wait3A_218 = arith.constant 1056 : i32
    %dma_wait3A_219 = tpu.memref_slice %arg5[%dma_wait3A_218] : memref<1600xi32, #tpu.memory_space<vmem>> -> memref<128xi32, #tpu.memory_space<vmem>>
    %dma_wait3A_220 = arith.constant 0 : i32
    %dma_wait3A_221 = arith.constant 0 : i32
    %dma_wait3A_222 = tpu.memref_slice %arg3[%dma_wait3A_220, %dma_wait3A_221] : memref<100000x128xf32, #tpu.memory_space<hbm>> -> memref<100000x128xf32, #tpu.memory_space<hbm>>
    tpu.wait_indirect_dma semaphore(%arg8 : memref<!tpu.dma_semaphore, #tpu.memory_space<semaphore_mem>>) src(%dma_wait3A_222 : memref<100000x128xf32, #tpu.memory_space<hbm>>) dst(%dma_wait3A_217 : memref<128x128xf32, #tpu.memory_space<vmem>>)
    %dma_wait3A_223 = arith.constant 384 : i32
    %dma_wait3A_224 = arith.constant 0 : i32
    %dma_wait3A_225 = tpu.memref_slice %arg6[%dma_wait3A_223, %dma_wait3A_224] : memref<400x128xf32, #tpu.memory_space<vmem>> -> memref<16x128xf32, #tpu.memory_space<vmem>>
    %dma_wait3A_226 = arith.constant 1184 : i32
    %dma_wait3A_227 = tpu.memref_slice %arg5[%dma_wait3A_226] : memref<1600xi32, #tpu.memory_space<vmem>> -> memref<16xi32, #tpu.memory_space<vmem>>
    %dma_wait3A_228 = arith.constant 0 : i32
    %dma_wait3A_229 = arith.constant 0 : i32
    %dma_wait3A_230 = tpu.memref_slice %arg3[%dma_wait3A_228, %dma_wait3A_229] : memref<100000x128xf32, #tpu.memory_space<hbm>> -> memref<100000x128xf32, #tpu.memory_space<hbm>>
    tpu.wait_indirect_dma semaphore(%arg8 : memref<!tpu.dma_semaphore, #tpu.memory_space<semaphore_mem>>) src(%dma_wait3A_230 : memref<100000x128xf32, #tpu.memory_space<hbm>>) dst(%dma_wait3A_225 : memref<16x128xf32, #tpu.memory_space<vmem>>)
    %add3A_231 = arith.constant 800 : i32
    %add3A_232 = arith.addi %mul3A_2, %add3A_231 : i32
    "tpu.region"() ({
      %run_scoped3A = tpu.sem_alloc : memref<!tpu.dma_semaphore, #tpu.memory_space<semaphore_mem>>
      %dma_start3A_267 = arith.constant 0 : i32
      %dma_start3A_268 = tpu.memref_slice %arg4[%add3A_232, %dma_start3A_267] : memref<51200x128xf32, #tpu.memory_space<hbm>> -> memref<400x128xf32, #tpu.memory_space<hbm>>
      %dma_start3A_269 = arith.constant 0 : i32
      %dma_start3A_270 = tpu.memref_slice %arg4[%add3A_232, %dma_start3A_269] : memref<51200x128xf32, #tpu.memory_space<hbm>> -> memref<400x128xf32, #tpu.memory_space<hbm>>
      tpu.enqueue_dma source(%arg6 : memref<400x128xf32, #tpu.memory_space<vmem>>) target(%dma_start3A_270 : memref<400x128xf32, #tpu.memory_space<hbm>>) target_semaphore(%run_scoped3A : memref<!tpu.dma_semaphore, #tpu.memory_space<semaphore_mem>>)
      %dma_wait3A_271 = arith.constant 0 : i32
      %dma_wait3A_272 = tpu.memref_slice %arg4[%add3A_232, %dma_wait3A_271] : memref<51200x128xf32, #tpu.memory_space<hbm>> -> memref<400x128xf32, #tpu.memory_space<hbm>>
      %dma_wait3A_273 = arith.constant 0 : i32
      %dma_wait3A_274 = tpu.memref_slice %arg4[%add3A_232, %dma_wait3A_273] : memref<51200x128xf32, #tpu.memory_space<hbm>> -> memref<400x128xf32, #tpu.memory_space<hbm>>
      tpu.wait_dma2 semaphore(%run_scoped3A : memref<!tpu.dma_semaphore, #tpu.memory_space<semaphore_mem>>) src(%arg6 : memref<400x128xf32, #tpu.memory_space<vmem>>) dst(%dma_wait3A_274 : memref<400x128xf32, #tpu.memory_space<hbm>>)
      tpu.yield
    }) : () -> ()
    %dma_wait3A_233 = arith.constant 0 : i32
    %dma_wait3A_234 = arith.constant 0 : i32
    %dma_wait3A_235 = tpu.memref_slice %arg7[%dma_wait3A_233, %dma_wait3A_234] : memref<400x128xf32, #tpu.memory_space<vmem>> -> memref<128x128xf32, #tpu.memory_space<vmem>>
    %dma_wait3A_236 = arith.constant 1200 : i32
    %dma_wait3A_237 = tpu.memref_slice %arg5[%dma_wait3A_236] : memref<1600xi32, #tpu.memory_space<vmem>> -> memref<128xi32, #tpu.memory_space<vmem>>
    %dma_wait3A_238 = arith.constant 0 : i32
    %dma_wait3A_239 = arith.constant 0 : i32
    %dma_wait3A_240 = tpu.memref_slice %arg3[%dma_wait3A_238, %dma_wait3A_239] : memref<100000x128xf32, #tpu.memory_space<hbm>> -> memref<100000x128xf32, #tpu.memory_space<hbm>>
    tpu.wait_indirect_dma semaphore(%arg9 : memref<!tpu.dma_semaphore, #tpu.memory_space<semaphore_mem>>) src(%dma_wait3A_240 : memref<100000x128xf32, #tpu.memory_space<hbm>>) dst(%dma_wait3A_235 : memref<128x128xf32, #tpu.memory_space<vmem>>)
    %dma_wait3A_241 = arith.constant 128 : i32
    %dma_wait3A_242 = arith.constant 0 : i32
    %dma_wait3A_243 = tpu.memref_slice %arg7[%dma_wait3A_241, %dma_wait3A_242] : memref<400x128xf32, #tpu.memory_space<vmem>> -> memref<128x128xf32, #tpu.memory_space<vmem>>
    %dma_wait3A_244 = arith.constant 1328 : i32
    %dma_wait3A_245 = tpu.memref_slice %arg5[%dma_wait3A_244] : memref<1600xi32, #tpu.memory_space<vmem>> -> memref<128xi32, #tpu.memory_space<vmem>>
    %dma_wait3A_246 = arith.constant 0 : i32
    %dma_wait3A_247 = arith.constant 0 : i32
    %dma_wait3A_248 = tpu.memref_slice %arg3[%dma_wait3A_246, %dma_wait3A_247] : memref<100000x128xf32, #tpu.memory_space<hbm>> -> memref<100000x128xf32, #tpu.memory_space<hbm>>
    tpu.wait_indirect_dma semaphore(%arg9 : memref<!tpu.dma_semaphore, #tpu.memory_space<semaphore_mem>>) src(%dma_wait3A_248 : memref<100000x128xf32, #tpu.memory_space<hbm>>) dst(%dma_wait3A_243 : memref<128x128xf32, #tpu.memory_space<vmem>>)
    %dma_wait3A_249 = arith.constant 256 : i32
    %dma_wait3A_250 = arith.constant 0 : i32
    %dma_wait3A_251 = tpu.memref_slice %arg7[%dma_wait3A_249, %dma_wait3A_250] : memref<400x128xf32, #tpu.memory_space<vmem>> -> memref<128x128xf32, #tpu.memory_space<vmem>>
    %dma_wait3A_252 = arith.constant 1456 : i32
    %dma_wait3A_253 = tpu.memref_slice %arg5[%dma_wait3A_252] : memref<1600xi32, #tpu.memory_space<vmem>> -> memref<128xi32, #tpu.memory_space<vmem>>
    %dma_wait3A_254 = arith.constant 0 : i32
    %dma_wait3A_255 = arith.constant 0 : i32
    %dma_wait3A_256 = tpu.memref_slice %arg3[%dma_wait3A_254, %dma_wait3A_255] : memref<100000x128xf32, #tpu.memory_space<hbm>> -> memref<100000x128xf32, #tpu.memory_space<hbm>>
    tpu.wait_indirect_dma semaphore(%arg9 : memref<!tpu.dma_semaphore, #tpu.memory_space<semaphore_mem>>) src(%dma_wait3A_256 : memref<100000x128xf32, #tpu.memory_space<hbm>>) dst(%dma_wait3A_251 : memref<128x128xf32, #tpu.memory_space<vmem>>)
    %dma_wait3A_257 = arith.constant 384 : i32
    %dma_wait3A_258 = arith.constant 0 : i32
    %dma_wait3A_259 = tpu.memref_slice %arg7[%dma_wait3A_257, %dma_wait3A_258] : memref<400x128xf32, #tpu.memory_space<vmem>> -> memref<16x128xf32, #tpu.memory_space<vmem>>
    %dma_wait3A_260 = arith.constant 1584 : i32
    %dma_wait3A_261 = tpu.memref_slice %arg5[%dma_wait3A_260] : memref<1600xi32, #tpu.memory_space<vmem>> -> memref<16xi32, #tpu.memory_space<vmem>>
    %dma_wait3A_262 = arith.constant 0 : i32
    %dma_wait3A_263 = arith.constant 0 : i32
    %dma_wait3A_264 = tpu.memref_slice %arg3[%dma_wait3A_262, %dma_wait3A_263] : memref<100000x128xf32, #tpu.memory_space<hbm>> -> memref<100000x128xf32, #tpu.memory_space<hbm>>
    tpu.wait_indirect_dma semaphore(%arg9 : memref<!tpu.dma_semaphore, #tpu.memory_space<semaphore_mem>>) src(%dma_wait3A_264 : memref<100000x128xf32, #tpu.memory_space<hbm>>) dst(%dma_wait3A_259 : memref<16x128xf32, #tpu.memory_space<vmem>>)
    %add3A_265 = arith.constant 1200 : i32
    %add3A_266 = arith.addi %mul3A_2, %add3A_265 : i32
    "tpu.region"() ({
      %run_scoped3A = tpu.sem_alloc : memref<!tpu.dma_semaphore, #tpu.memory_space<semaphore_mem>>
      %dma_start3A_267 = arith.constant 0 : i32
      %dma_start3A_268 = tpu.memref_slice %arg4[%add3A_266, %dma_start3A_267] : memref<51200x128xf32, #tpu.memory_space<hbm>> -> memref<400x128xf32, #tpu.memory_space<hbm>>
      %dma_start3A_269 = arith.constant 0 : i32
      %dma_start3A_270 = tpu.memref_slice %arg4[%add3A_266, %dma_start3A_269] : memref<51200x128xf32, #tpu.memory_space<hbm>> -> memref<400x128xf32, #tpu.memory_space<hbm>>
      tpu.enqueue_dma source(%arg7 : memref<400x128xf32, #tpu.memory_space<vmem>>) target(%dma_start3A_270 : memref<400x128xf32, #tpu.memory_space<hbm>>) target_semaphore(%run_scoped3A : memref<!tpu.dma_semaphore, #tpu.memory_space<semaphore_mem>>)
      %dma_wait3A_271 = arith.constant 0 : i32
      %dma_wait3A_272 = tpu.memref_slice %arg4[%add3A_266, %dma_wait3A_271] : memref<51200x128xf32, #tpu.memory_space<hbm>> -> memref<400x128xf32, #tpu.memory_space<hbm>>
      %dma_wait3A_273 = arith.constant 0 : i32
      %dma_wait3A_274 = tpu.memref_slice %arg4[%add3A_266, %dma_wait3A_273] : memref<51200x128xf32, #tpu.memory_space<hbm>> -> memref<400x128xf32, #tpu.memory_space<hbm>>
      tpu.wait_dma2 semaphore(%run_scoped3A : memref<!tpu.dma_semaphore, #tpu.memory_space<semaphore_mem>>) src(%arg7 : memref<400x128xf32, #tpu.memory_space<vmem>>) dst(%dma_wait3A_274 : memref<400x128xf32, #tpu.memory_space<hbm>>)
      tpu.yield
    }) : () -> ()
    return
  }
}

module attributes {stable_mosaic.version = 14 : i64} {
  func.func @body(%arg0: i32, %arg1: memref<64x8192xf32, #tpu.memory_space<vmem>>, %arg2: memref<64x8192xf32, #tpu.memory_space<vmem>>, %arg3: memref<128x128xf32, #tpu.memory_space<vmem>>, %arg4: memref<8192x128xf32, #tpu.memory_space<vmem>>) attributes {dimension_semantics = [#tpu.dimension_semantics<arbitrary>], iteration_bounds = array<i64: 13>, scalar_prefetch = 0 : i64, scratch_operands = 0 : i64, tpu.core_type = #tpu.core_type<tc>, window_params = [{transform_indices = @transform_0, window_bounds = array<i64: 64, 8192>}, {transform_indices = @transform_1, window_bounds = array<i64: 64, 8192>}, {pipeline_mode = #tpu.pipeline_mode<synchronous>, transform_indices = @transform_2, window_bounds = array<i64: 128, 128>}, {transform_indices = @transform_3, window_bounds = array<i64: 8192, 128>}]} {
    %get3A = arith.constant 0 : index
    %get3A_0 = arith.constant 0 : index
    %get3A_1 = vector.load %arg1[%get3A, %get3A_0] : memref<64x8192xf32, #tpu.memory_space<vmem>>, vector<64x8192xf32>
    %get3A_2 = arith.constant 0 : index
    %get3A_3 = arith.constant 0 : index
    %get3A_4 = vector.load %arg2[%get3A_2, %get3A_3] : memref<64x8192xf32, #tpu.memory_space<vmem>>, vector<64x8192xf32>
    %concatenate3A = tpu.concatenate %get3A_1, %get3A_4 in 0 : vector<64x8192xf32>, vector<64x8192xf32> -> vector<128x8192xf32>
    %get3A_5 = arith.constant 0 : index
    %get3A_6 = arith.constant 0 : index
    %get3A_7 = vector.load %arg3[%get3A_5, %get3A_6] : memref<128x128xf32, #tpu.memory_space<vmem>>, vector<128x128xf32>
    %dot_general3A = arith.constant dense<0.000000e+00> : vector<8192x128xf32>
    %dot_general3A_8 = tpu.matmul %concatenate3A, %get3A_7, %dot_general3A {dimension_numbers = #tpu.dot_dimension_numbers<[0], [0], [1], [1], [0, 1, 1, 1], [], []>, transpose_lhs_hint = false} : vector<128x8192xf32>, vector<128x128xf32>, vector<8192x128xf32> -> vector<8192x128xf32>
    %swap3A = arith.constant 0 : index
    %swap3A_9 = arith.constant 0 : index
    %swap3A_10 = vector.load %arg4[%swap3A, %swap3A_9] : memref<8192x128xf32, #tpu.memory_space<vmem>>, vector<8192x128xf32>
    tpu.vector_store %arg4[%swap3A, %swap3A_9], %dot_general3A_8 {strides = array<i32>} : memref<8192x128xf32, #tpu.memory_space<vmem>>, vector<8192x128xf32>,
    return
  }
  func.func @transform_0(%arg0: i32) -> (i32, i32) {
    %c0_i32 = arith.constant 0 : i32
    %c0_i32_0 = arith.constant 0 : i32
    return %c0_i32, %arg0 : i32, i32
  }
  func.func @transform_1(%arg0: i32) -> (i32, i32) {
    %c0_i32 = arith.constant 0 : i32
    %c0_i32_0 = arith.constant 0 : i32
    return %c0_i32, %arg0 : i32, i32
  }
  func.func @transform_2(%arg0: i32) -> (i32, i32) {
    %c0_i32 = arith.constant 0 : i32
    %c0_i32_0 = arith.constant 0 : i32
    %c0_i32_1 = arith.constant 0 : i32
    return %c0_i32, %c0_i32_0 : i32, i32
  }
  func.func @transform_3(%arg0: i32) -> (i32, i32) {
    %c0_i32 = arith.constant 0 : i32
    %c0_i32_0 = arith.constant 0 : i32
    return %arg0, %c0_i32 : i32, i32
  }
}

module attributes {stable_mosaic.version = 14 : i64} {
  func.func @body(%arg0: i32, %arg1: memref<5x1024x128xf32, #tpu.memory_space<vmem>>, %arg2: memref<8x64x128xf32, #tpu.memory_space<vmem>>, %arg3: memref<8x5x64x1024xf32, #tpu.memory_space<vmem>>) attributes {dimension_semantics = [#tpu.dimension_semantics<arbitrary>], iteration_bounds = array<i64: 10>, scalar_prefetch = 0 : i64, scratch_operands = 0 : i64, tpu.core_type = #tpu.core_type<tc>, window_params = [{transform_indices = @transform_0, window_bounds = array<i64: 5, 1024, 128>}, {pipeline_mode = #tpu.pipeline_mode<synchronous>, transform_indices = @transform_1, window_bounds = array<i64: 8, 64, 128>}, {transform_indices = @transform_2, window_bounds = array<i64: 8, 5, 64, 1024>}]} {
    %get3A = arith.constant 0 : index
    %get3A_0 = arith.constant 0 : index
    %get3A_1 = arith.constant 0 : index
    %get3A_2 = vector.load %arg1[%get3A, %get3A_0, %get3A_1] : memref<5x1024x128xf32, #tpu.memory_space<vmem>>, vector<1x1024x128xf32>
    %get3A_3 = vector.shape_cast %get3A_2 : vector<1x1024x128xf32> to vector<1024x128xf32>
    %get3A_4 = arith.constant 0 : index
    %get3A_5 = arith.constant 0 : index
    %get3A_6 = arith.constant 0 : index
    %get3A_7 = vector.load %arg2[%get3A_4, %get3A_5, %get3A_6] : memref<8x64x128xf32, #tpu.memory_space<vmem>>, vector<1x64x128xf32>
    %get3A_8 = vector.shape_cast %get3A_7 : vector<1x64x128xf32> to vector<64x128xf32>
    %dot_general3A = arith.constant dense<0.000000e+00> : vector<64x1024xf32>
    %dot_general3A_9 = tpu.matmul %get3A_8, %get3A_3, %dot_general3A {dimension_numbers = #tpu.dot_dimension_numbers<[1], [1], [0], [0], [0, 0, 1, 0], [], []>, transpose_lhs_hint = false} : vector<64x128xf32>, vector<1024x128xf32>, vector<64x1024xf32> -> vector<64x1024xf32>
    %swap3A = arith.constant 0 : index
    %swap3A_10 = arith.constant 0 : index
    %swap3A_11 = arith.constant 0 : index
    %swap3A_12 = arith.constant 0 : index
    %swap3A_13 = vector.load %arg3[%swap3A, %swap3A_10, %swap3A_11, %swap3A_12] : memref<8x5x64x1024xf32, #tpu.memory_space<vmem>>, vector<1x1x64x1024xf32>
    %swap3A_14 = vector.shape_cast %swap3A_13 : vector<1x1x64x1024xf32> to vector<64x1024xf32>
    %swap3A_15 = vector.shape_cast %dot_general3A_9 : vector<64x1024xf32> to vector<1x1x64x1024xf32>
    tpu.vector_store %arg3[%swap3A, %swap3A_10, %swap3A_11, %swap3A_12], %swap3A_15 {strides = array<i32>} : memref<8x5x64x1024xf32, #tpu.memory_space<vmem>>, vector<1x1x64x1024xf32>,
    %get3A_16 = arith.constant 1 : index
    %get3A_17 = arith.constant 0 : index
    %get3A_18 = arith.constant 0 : index
    %get3A_19 = vector.load %arg2[%get3A_16, %get3A_17, %get3A_18] : memref<8x64x128xf32, #tpu.memory_space<vmem>>, vector<1x64x128xf32>
    %get3A_20 = vector.shape_cast %get3A_19 : vector<1x64x128xf32> to vector<64x128xf32>
    %dot_general3A_21 = arith.constant dense<0.000000e+00> : vector<64x1024xf32>
    %dot_general3A_22 = tpu.matmul %get3A_20, %get3A_3, %dot_general3A_21 {dimension_numbers = #tpu.dot_dimension_numbers<[1], [1], [0], [0], [0, 0, 1, 0], [], []>, transpose_lhs_hint = false} : vector<64x128xf32>, vector<1024x128xf32>, vector<64x1024xf32> -> vector<64x1024xf32>
    %swap3A_23 = arith.constant 1 : index
    %swap3A_24 = arith.constant 0 : index
    %swap3A_25 = arith.constant 0 : index
    %swap3A_26 = arith.constant 0 : index
    %swap3A_27 = vector.load %arg3[%swap3A_23, %swap3A_24, %swap3A_25, %swap3A_26] : memref<8x5x64x1024xf32, #tpu.memory_space<vmem>>, vector<1x1x64x1024xf32>
    %swap3A_28 = vector.shape_cast %swap3A_27 : vector<1x1x64x1024xf32> to vector<64x1024xf32>
    %swap3A_29 = vector.shape_cast %dot_general3A_22 : vector<64x1024xf32> to vector<1x1x64x1024xf32>
    tpu.vector_store %arg3[%swap3A_23, %swap3A_24, %swap3A_25, %swap3A_26], %swap3A_29 {strides = array<i32>} : memref<8x5x64x1024xf32, #tpu.memory_space<vmem>>, vector<1x1x64x1024xf32>,
    %get3A_30 = arith.constant 2 : index
    %get3A_31 = arith.constant 0 : index
    %get3A_32 = arith.constant 0 : index
    %get3A_33 = vector.load %arg2[%get3A_30, %get3A_31, %get3A_32] : memref<8x64x128xf32, #tpu.memory_space<vmem>>, vector<1x64x128xf32>
    %get3A_34 = vector.shape_cast %get3A_33 : vector<1x64x128xf32> to vector<64x128xf32>
    %dot_general3A_35 = arith.constant dense<0.000000e+00> : vector<64x1024xf32>
    %dot_general3A_36 = tpu.matmul %get3A_34, %get3A_3, %dot_general3A_35 {dimension_numbers = #tpu.dot_dimension_numbers<[1], [1], [0], [0], [0, 0, 1, 0], [], []>, transpose_lhs_hint = false} : vector<64x128xf32>, vector<1024x128xf32>, vector<64x1024xf32> -> vector<64x1024xf32>
    %swap3A_37 = arith.constant 2 : index
    %swap3A_38 = arith.constant 0 : index
    %swap3A_39 = arith.constant 0 : index
    %swap3A_40 = arith.constant 0 : index
    %swap3A_41 = vector.load %arg3[%swap3A_37, %swap3A_38, %swap3A_39, %swap3A_40] : memref<8x5x64x1024xf32, #tpu.memory_space<vmem>>, vector<1x1x64x1024xf32>
    %swap3A_42 = vector.shape_cast %swap3A_41 : vector<1x1x64x1024xf32> to vector<64x1024xf32>
    %swap3A_43 = vector.shape_cast %dot_general3A_36 : vector<64x1024xf32> to vector<1x1x64x1024xf32>
    tpu.vector_store %arg3[%swap3A_37, %swap3A_38, %swap3A_39, %swap3A_40], %swap3A_43 {strides = array<i32>} : memref<8x5x64x1024xf32, #tpu.memory_space<vmem>>, vector<1x1x64x1024xf32>,
    %get3A_44 = arith.constant 3 : index
    %get3A_45 = arith.constant 0 : index
    %get3A_46 = arith.constant 0 : index
    %get3A_47 = vector.load %arg2[%get3A_44, %get3A_45, %get3A_46] : memref<8x64x128xf32, #tpu.memory_space<vmem>>, vector<1x64x128xf32>
    %get3A_48 = vector.shape_cast %get3A_47 : vector<1x64x128xf32> to vector<64x128xf32>
    %dot_general3A_49 = arith.constant dense<0.000000e+00> : vector<64x1024xf32>
    %dot_general3A_50 = tpu.matmul %get3A_48, %get3A_3, %dot_general3A_49 {dimension_numbers = #tpu.dot_dimension_numbers<[1], [1], [0], [0], [0, 0, 1, 0], [], []>, transpose_lhs_hint = false} : vector<64x128xf32>, vector<1024x128xf32>, vector<64x1024xf32> -> vector<64x1024xf32>
    %swap3A_51 = arith.constant 3 : index
    %swap3A_52 = arith.constant 0 : index
    %swap3A_53 = arith.constant 0 : index
    %swap3A_54 = arith.constant 0 : index
    %swap3A_55 = vector.load %arg3[%swap3A_51, %swap3A_52, %swap3A_53, %swap3A_54] : memref<8x5x64x1024xf32, #tpu.memory_space<vmem>>, vector<1x1x64x1024xf32>
    %swap3A_56 = vector.shape_cast %swap3A_55 : vector<1x1x64x1024xf32> to vector<64x1024xf32>
    %swap3A_57 = vector.shape_cast %dot_general3A_50 : vector<64x1024xf32> to vector<1x1x64x1024xf32>
    tpu.vector_store %arg3[%swap3A_51, %swap3A_52, %swap3A_53, %swap3A_54], %swap3A_57 {strides = array<i32>} : memref<8x5x64x1024xf32, #tpu.memory_space<vmem>>, vector<1x1x64x1024xf32>,
    %get3A_58 = arith.constant 4 : index
    %get3A_59 = arith.constant 0 : index
    %get3A_60 = arith.constant 0 : index
    %get3A_61 = vector.load %arg2[%get3A_58, %get3A_59, %get3A_60] : memref<8x64x128xf32, #tpu.memory_space<vmem>>, vector<1x64x128xf32>
    %get3A_62 = vector.shape_cast %get3A_61 : vector<1x64x128xf32> to vector<64x128xf32>
    %dot_general3A_63 = arith.constant dense<0.000000e+00> : vector<64x1024xf32>
    %dot_general3A_64 = tpu.matmul %get3A_62, %get3A_3, %dot_general3A_63 {dimension_numbers = #tpu.dot_dimension_numbers<[1], [1], [0], [0], [0, 0, 1, 0], [], []>, transpose_lhs_hint = false} : vector<64x128xf32>, vector<1024x128xf32>, vector<64x1024xf32> -> vector<64x1024xf32>
    %swap3A_65 = arith.constant 4 : index
    %swap3A_66 = arith.constant 0 : index
    %swap3A_67 = arith.constant 0 : index
    %swap3A_68 = arith.constant 0 : index
    %swap3A_69 = vector.load %arg3[%swap3A_65, %swap3A_66, %swap3A_67, %swap3A_68] : memref<8x5x64x1024xf32, #tpu.memory_space<vmem>>, vector<1x1x64x1024xf32>
    %swap3A_70 = vector.shape_cast %swap3A_69 : vector<1x1x64x1024xf32> to vector<64x1024xf32>
    %swap3A_71 = vector.shape_cast %dot_general3A_64 : vector<64x1024xf32> to vector<1x1x64x1024xf32>
    tpu.vector_store %arg3[%swap3A_65, %swap3A_66, %swap3A_67, %swap3A_68], %swap3A_71 {strides = array<i32>} : memref<8x5x64x1024xf32, #tpu.memory_space<vmem>>, vector<1x1x64x1024xf32>,
    %get3A_72 = arith.constant 5 : index
    %get3A_73 = arith.constant 0 : index
    %get3A_74 = arith.constant 0 : index
    %get3A_75 = vector.load %arg2[%get3A_72, %get3A_73, %get3A_74] : memref<8x64x128xf32, #tpu.memory_space<vmem>>, vector<1x64x128xf32>
    %get3A_76 = vector.shape_cast %get3A_75 : vector<1x64x128xf32> to vector<64x128xf32>
    %dot_general3A_77 = arith.constant dense<0.000000e+00> : vector<64x1024xf32>
    %dot_general3A_78 = tpu.matmul %get3A_76, %get3A_3, %dot_general3A_77 {dimension_numbers = #tpu.dot_dimension_numbers<[1], [1], [0], [0], [0, 0, 1, 0], [], []>, transpose_lhs_hint = false} : vector<64x128xf32>, vector<1024x128xf32>, vector<64x1024xf32> -> vector<64x1024xf32>
    %swap3A_79 = arith.constant 5 : index
    %swap3A_80 = arith.constant 0 : index
    %swap3A_81 = arith.constant 0 : index
    %swap3A_82 = arith.constant 0 : index
    %swap3A_83 = vector.load %arg3[%swap3A_79, %swap3A_80, %swap3A_81, %swap3A_82] : memref<8x5x64x1024xf32, #tpu.memory_space<vmem>>, vector<1x1x64x1024xf32>
    %swap3A_84 = vector.shape_cast %swap3A_83 : vector<1x1x64x1024xf32> to vector<64x1024xf32>
    %swap3A_85 = vector.shape_cast %dot_general3A_78 : vector<64x1024xf32> to vector<1x1x64x1024xf32>
    tpu.vector_store %arg3[%swap3A_79, %swap3A_80, %swap3A_81, %swap3A_82], %swap3A_85 {strides = array<i32>} : memref<8x5x64x1024xf32, #tpu.memory_space<vmem>>, vector<1x1x64x1024xf32>,
    %get3A_86 = arith.constant 6 : index
    %get3A_87 = arith.constant 0 : index
    %get3A_88 = arith.constant 0 : index
    %get3A_89 = vector.load %arg2[%get3A_86, %get3A_87, %get3A_88] : memref<8x64x128xf32, #tpu.memory_space<vmem>>, vector<1x64x128xf32>
    %get3A_90 = vector.shape_cast %get3A_89 : vector<1x64x128xf32> to vector<64x128xf32>
    %dot_general3A_91 = arith.constant dense<0.000000e+00> : vector<64x1024xf32>
    %dot_general3A_92 = tpu.matmul %get3A_90, %get3A_3, %dot_general3A_91 {dimension_numbers = #tpu.dot_dimension_numbers<[1], [1], [0], [0], [0, 0, 1, 0], [], []>, transpose_lhs_hint = false} : vector<64x128xf32>, vector<1024x128xf32>, vector<64x1024xf32> -> vector<64x1024xf32>
    %swap3A_93 = arith.constant 6 : index
    %swap3A_94 = arith.constant 0 : index
    %swap3A_95 = arith.constant 0 : index
    %swap3A_96 = arith.constant 0 : index
    %swap3A_97 = vector.load %arg3[%swap3A_93, %swap3A_94, %swap3A_95, %swap3A_96] : memref<8x5x64x1024xf32, #tpu.memory_space<vmem>>, vector<1x1x64x1024xf32>
    %swap3A_98 = vector.shape_cast %swap3A_97 : vector<1x1x64x1024xf32> to vector<64x1024xf32>
    %swap3A_99 = vector.shape_cast %dot_general3A_92 : vector<64x1024xf32> to vector<1x1x64x1024xf32>
    tpu.vector_store %arg3[%swap3A_93, %swap3A_94, %swap3A_95, %swap3A_96], %swap3A_99 {strides = array<i32>} : memref<8x5x64x1024xf32, #tpu.memory_space<vmem>>, vector<1x1x64x1024xf32>,
    %get3A_100 = arith.constant 7 : index
    %get3A_101 = arith.constant 0 : index
    %get3A_102 = arith.constant 0 : index
    %get3A_103 = vector.load %arg2[%get3A_100, %get3A_101, %get3A_102] : memref<8x64x128xf32, #tpu.memory_space<vmem>>, vector<1x64x128xf32>
    %get3A_104 = vector.shape_cast %get3A_103 : vector<1x64x128xf32> to vector<64x128xf32>
    %dot_general3A_105 = arith.constant dense<0.000000e+00> : vector<64x1024xf32>
    %dot_general3A_106 = tpu.matmul %get3A_104, %get3A_3, %dot_general3A_105 {dimension_numbers = #tpu.dot_dimension_numbers<[1], [1], [0], [0], [0, 0, 1, 0], [], []>, transpose_lhs_hint = false} : vector<64x128xf32>, vector<1024x128xf32>, vector<64x1024xf32> -> vector<64x1024xf32>
    %swap3A_107 = arith.constant 7 : index
    %swap3A_108 = arith.constant 0 : index
    %swap3A_109 = arith.constant 0 : index
    %swap3A_110 = arith.constant 0 : index
    %swap3A_111 = vector.load %arg3[%swap3A_107, %swap3A_108, %swap3A_109, %swap3A_110] : memref<8x5x64x1024xf32, #tpu.memory_space<vmem>>, vector<1x1x64x1024xf32>
    %swap3A_112 = vector.shape_cast %swap3A_111 : vector<1x1x64x1024xf32> to vector<64x1024xf32>
    %swap3A_113 = vector.shape_cast %dot_general3A_106 : vector<64x1024xf32> to vector<1x1x64x1024xf32>
    tpu.vector_store %arg3[%swap3A_107, %swap3A_108, %swap3A_109, %swap3A_110], %swap3A_113 {strides = array<i32>} : memref<8x5x64x1024xf32, #tpu.memory_space<vmem>>, vector<1x1x64x1024xf32>,
    %get3A_114 = arith.constant 1 : index
    %get3A_115 = arith.constant 0 : index
    %get3A_116 = arith.constant 0 : index
    %get3A_117 = vector.load %arg1[%get3A_114, %get3A_115, %get3A_116] : memref<5x1024x128xf32, #tpu.memory_space<vmem>>, vector<1x1024x128xf32>
    %get3A_118 = vector.shape_cast %get3A_117 : vector<1x1024x128xf32> to vector<1024x128xf32>
    %get3A_119 = arith.constant 0 : index
    %get3A_120 = arith.constant 0 : index
    %get3A_121 = arith.constant 0 : index
    %get3A_122 = vector.load %arg2[%get3A_119, %get3A_120, %get3A_121] : memref<8x64x128xf32, #tpu.memory_space<vmem>>, vector<1x64x128xf32>
    %get3A_123 = vector.shape_cast %get3A_122 : vector<1x64x128xf32> to vector<64x128xf32>
    %dot_general3A_124 = arith.constant dense<0.000000e+00> : vector<64x1024xf32>
    %dot_general3A_125 = tpu.matmul %get3A_123, %get3A_118, %dot_general3A_124 {dimension_numbers = #tpu.dot_dimension_numbers<[1], [1], [0], [0], [0, 0, 1, 0], [], []>, transpose_lhs_hint = false} : vector<64x128xf32>, vector<1024x128xf32>, vector<64x1024xf32> -> vector<64x1024xf32>
    %swap3A_126 = arith.constant 0 : index
    %swap3A_127 = arith.constant 1 : index
    %swap3A_128 = arith.constant 0 : index
    %swap3A_129 = arith.constant 0 : index
    %swap3A_130 = vector.load %arg3[%swap3A_126, %swap3A_127, %swap3A_128, %swap3A_129] : memref<8x5x64x1024xf32, #tpu.memory_space<vmem>>, vector<1x1x64x1024xf32>
    %swap3A_131 = vector.shape_cast %swap3A_130 : vector<1x1x64x1024xf32> to vector<64x1024xf32>
    %swap3A_132 = vector.shape_cast %dot_general3A_125 : vector<64x1024xf32> to vector<1x1x64x1024xf32>
    tpu.vector_store %arg3[%swap3A_126, %swap3A_127, %swap3A_128, %swap3A_129], %swap3A_132 {strides = array<i32>} : memref<8x5x64x1024xf32, #tpu.memory_space<vmem>>, vector<1x1x64x1024xf32>,
    %get3A_133 = arith.constant 1 : index
    %get3A_134 = arith.constant 0 : index
    %get3A_135 = arith.constant 0 : index
    %get3A_136 = vector.load %arg2[%get3A_133, %get3A_134, %get3A_135] : memref<8x64x128xf32, #tpu.memory_space<vmem>>, vector<1x64x128xf32>
    %get3A_137 = vector.shape_cast %get3A_136 : vector<1x64x128xf32> to vector<64x128xf32>
    %dot_general3A_138 = arith.constant dense<0.000000e+00> : vector<64x1024xf32>
    %dot_general3A_139 = tpu.matmul %get3A_137, %get3A_118, %dot_general3A_138 {dimension_numbers = #tpu.dot_dimension_numbers<[1], [1], [0], [0], [0, 0, 1, 0], [], []>, transpose_lhs_hint = false} : vector<64x128xf32>, vector<1024x128xf32>, vector<64x1024xf32> -> vector<64x1024xf32>
    %swap3A_140 = arith.constant 1 : index
    %swap3A_141 = arith.constant 1 : index
    %swap3A_142 = arith.constant 0 : index
    %swap3A_143 = arith.constant 0 : index
    %swap3A_144 = vector.load %arg3[%swap3A_140, %swap3A_141, %swap3A_142, %swap3A_143] : memref<8x5x64x1024xf32, #tpu.memory_space<vmem>>, vector<1x1x64x1024xf32>
    %swap3A_145 = vector.shape_cast %swap3A_144 : vector<1x1x64x1024xf32> to vector<64x1024xf32>
    %swap3A_146 = vector.shape_cast %dot_general3A_139 : vector<64x1024xf32> to vector<1x1x64x1024xf32>
    tpu.vector_store %arg3[%swap3A_140, %swap3A_141, %swap3A_142, %swap3A_143], %swap3A_146 {strides = array<i32>} : memref<8x5x64x1024xf32, #tpu.memory_space<vmem>>, vector<1x1x64x1024xf32>,
    %get3A_147 = arith.constant 2 : index
    %get3A_148 = arith.constant 0 : index
    %get3A_149 = arith.constant 0 : index
    %get3A_150 = vector.load %arg2[%get3A_147, %get3A_148, %get3A_149] : memref<8x64x128xf32, #tpu.memory_space<vmem>>, vector<1x64x128xf32>
    %get3A_151 = vector.shape_cast %get3A_150 : vector<1x64x128xf32> to vector<64x128xf32>
    %dot_general3A_152 = arith.constant dense<0.000000e+00> : vector<64x1024xf32>
    %dot_general3A_153 = tpu.matmul %get3A_151, %get3A_118, %dot_general3A_152 {dimension_numbers = #tpu.dot_dimension_numbers<[1], [1], [0], [0], [0, 0, 1, 0], [], []>, transpose_lhs_hint = false} : vector<64x128xf32>, vector<1024x128xf32>, vector<64x1024xf32> -> vector<64x1024xf32>
    %swap3A_154 = arith.constant 2 : index
    %swap3A_155 = arith.constant 1 : index
    %swap3A_156 = arith.constant 0 : index
    %swap3A_157 = arith.constant 0 : index
    %swap3A_158 = vector.load %arg3[%swap3A_154, %swap3A_155, %swap3A_156, %swap3A_157] : memref<8x5x64x1024xf32, #tpu.memory_space<vmem>>, vector<1x1x64x1024xf32>
    %swap3A_159 = vector.shape_cast %swap3A_158 : vector<1x1x64x1024xf32> to vector<64x1024xf32>
    %swap3A_160 = vector.shape_cast %dot_general3A_153 : vector<64x1024xf32> to vector<1x1x64x1024xf32>
    tpu.vector_store %arg3[%swap3A_154, %swap3A_155, %swap3A_156, %swap3A_157], %swap3A_160 {strides = array<i32>} : memref<8x5x64x1024xf32, #tpu.memory_space<vmem>>, vector<1x1x64x1024xf32>,
    %get3A_161 = arith.constant 3 : index
    %get3A_162 = arith.constant 0 : index
    %get3A_163 = arith.constant 0 : index
    %get3A_164 = vector.load %arg2[%get3A_161, %get3A_162, %get3A_163] : memref<8x64x128xf32, #tpu.memory_space<vmem>>, vector<1x64x128xf32>
    %get3A_165 = vector.shape_cast %get3A_164 : vector<1x64x128xf32> to vector<64x128xf32>
    %dot_general3A_166 = arith.constant dense<0.000000e+00> : vector<64x1024xf32>
    %dot_general3A_167 = tpu.matmul %get3A_165, %get3A_118, %dot_general3A_166 {dimension_numbers = #tpu.dot_dimension_numbers<[1], [1], [0], [0], [0, 0, 1, 0], [], []>, transpose_lhs_hint = false} : vector<64x128xf32>, vector<1024x128xf32>, vector<64x1024xf32> -> vector<64x1024xf32>
    %swap3A_168 = arith.constant 3 : index
    %swap3A_169 = arith.constant 1 : index
    %swap3A_170 = arith.constant 0 : index
    %swap3A_171 = arith.constant 0 : index
    %swap3A_172 = vector.load %arg3[%swap3A_168, %swap3A_169, %swap3A_170, %swap3A_171] : memref<8x5x64x1024xf32, #tpu.memory_space<vmem>>, vector<1x1x64x1024xf32>
    %swap3A_173 = vector.shape_cast %swap3A_172 : vector<1x1x64x1024xf32> to vector<64x1024xf32>
    %swap3A_174 = vector.shape_cast %dot_general3A_167 : vector<64x1024xf32> to vector<1x1x64x1024xf32>
    tpu.vector_store %arg3[%swap3A_168, %swap3A_169, %swap3A_170, %swap3A_171], %swap3A_174 {strides = array<i32>} : memref<8x5x64x1024xf32, #tpu.memory_space<vmem>>, vector<1x1x64x1024xf32>,
    %get3A_175 = arith.constant 4 : index
    %get3A_176 = arith.constant 0 : index
    %get3A_177 = arith.constant 0 : index
    %get3A_178 = vector.load %arg2[%get3A_175, %get3A_176, %get3A_177] : memref<8x64x128xf32, #tpu.memory_space<vmem>>, vector<1x64x128xf32>
    %get3A_179 = vector.shape_cast %get3A_178 : vector<1x64x128xf32> to vector<64x128xf32>
    %dot_general3A_180 = arith.constant dense<0.000000e+00> : vector<64x1024xf32>
    %dot_general3A_181 = tpu.matmul %get3A_179, %get3A_118, %dot_general3A_180 {dimension_numbers = #tpu.dot_dimension_numbers<[1], [1], [0], [0], [0, 0, 1, 0], [], []>, transpose_lhs_hint = false} : vector<64x128xf32>, vector<1024x128xf32>, vector<64x1024xf32> -> vector<64x1024xf32>
    %swap3A_182 = arith.constant 4 : index
    %swap3A_183 = arith.constant 1 : index
    %swap3A_184 = arith.constant 0 : index
    %swap3A_185 = arith.constant 0 : index
    %swap3A_186 = vector.load %arg3[%swap3A_182, %swap3A_183, %swap3A_184, %swap3A_185] : memref<8x5x64x1024xf32, #tpu.memory_space<vmem>>, vector<1x1x64x1024xf32>
    %swap3A_187 = vector.shape_cast %swap3A_186 : vector<1x1x64x1024xf32> to vector<64x1024xf32>
    %swap3A_188 = vector.shape_cast %dot_general3A_181 : vector<64x1024xf32> to vector<1x1x64x1024xf32>
    tpu.vector_store %arg3[%swap3A_182, %swap3A_183, %swap3A_184, %swap3A_185], %swap3A_188 {strides = array<i32>} : memref<8x5x64x1024xf32, #tpu.memory_space<vmem>>, vector<1x1x64x1024xf32>,
    %get3A_189 = arith.constant 5 : index
    %get3A_190 = arith.constant 0 : index
    %get3A_191 = arith.constant 0 : index
    %get3A_192 = vector.load %arg2[%get3A_189, %get3A_190, %get3A_191] : memref<8x64x128xf32, #tpu.memory_space<vmem>>, vector<1x64x128xf32>
    %get3A_193 = vector.shape_cast %get3A_192 : vector<1x64x128xf32> to vector<64x128xf32>
    %dot_general3A_194 = arith.constant dense<0.000000e+00> : vector<64x1024xf32>
    %dot_general3A_195 = tpu.matmul %get3A_193, %get3A_118, %dot_general3A_194 {dimension_numbers = #tpu.dot_dimension_numbers<[1], [1], [0], [0], [0, 0, 1, 0], [], []>, transpose_lhs_hint = false} : vector<64x128xf32>, vector<1024x128xf32>, vector<64x1024xf32> -> vector<64x1024xf32>
    %swap3A_196 = arith.constant 5 : index
    %swap3A_197 = arith.constant 1 : index
    %swap3A_198 = arith.constant 0 : index
    %swap3A_199 = arith.constant 0 : index
    %swap3A_200 = vector.load %arg3[%swap3A_196, %swap3A_197, %swap3A_198, %swap3A_199] : memref<8x5x64x1024xf32, #tpu.memory_space<vmem>>, vector<1x1x64x1024xf32>
    %swap3A_201 = vector.shape_cast %swap3A_200 : vector<1x1x64x1024xf32> to vector<64x1024xf32>
    %swap3A_202 = vector.shape_cast %dot_general3A_195 : vector<64x1024xf32> to vector<1x1x64x1024xf32>
    tpu.vector_store %arg3[%swap3A_196, %swap3A_197, %swap3A_198, %swap3A_199], %swap3A_202 {strides = array<i32>} : memref<8x5x64x1024xf32, #tpu.memory_space<vmem>>, vector<1x1x64x1024xf32>,
    %get3A_203 = arith.constant 6 : index
    %get3A_204 = arith.constant 0 : index
    %get3A_205 = arith.constant 0 : index
    %get3A_206 = vector.load %arg2[%get3A_203, %get3A_204, %get3A_205] : memref<8x64x128xf32, #tpu.memory_space<vmem>>, vector<1x64x128xf32>
    %get3A_207 = vector.shape_cast %get3A_206 : vector<1x64x128xf32> to vector<64x128xf32>
    %dot_general3A_208 = arith.constant dense<0.000000e+00> : vector<64x1024xf32>
    %dot_general3A_209 = tpu.matmul %get3A_207, %get3A_118, %dot_general3A_208 {dimension_numbers = #tpu.dot_dimension_numbers<[1], [1], [0], [0], [0, 0, 1, 0], [], []>, transpose_lhs_hint = false} : vector<64x128xf32>, vector<1024x128xf32>, vector<64x1024xf32> -> vector<64x1024xf32>
    %swap3A_210 = arith.constant 6 : index
    %swap3A_211 = arith.constant 1 : index
    %swap3A_212 = arith.constant 0 : index
    %swap3A_213 = arith.constant 0 : index
    %swap3A_214 = vector.load %arg3[%swap3A_210, %swap3A_211, %swap3A_212, %swap3A_213] : memref<8x5x64x1024xf32, #tpu.memory_space<vmem>>, vector<1x1x64x1024xf32>
    %swap3A_215 = vector.shape_cast %swap3A_214 : vector<1x1x64x1024xf32> to vector<64x1024xf32>
    %swap3A_216 = vector.shape_cast %dot_general3A_209 : vector<64x1024xf32> to vector<1x1x64x1024xf32>
    tpu.vector_store %arg3[%swap3A_210, %swap3A_211, %swap3A_212, %swap3A_213], %swap3A_216 {strides = array<i32>} : memref<8x5x64x1024xf32, #tpu.memory_space<vmem>>, vector<1x1x64x1024xf32>,
    %get3A_217 = arith.constant 7 : index
    %get3A_218 = arith.constant 0 : index
    %get3A_219 = arith.constant 0 : index
    %get3A_220 = vector.load %arg2[%get3A_217, %get3A_218, %get3A_219] : memref<8x64x128xf32, #tpu.memory_space<vmem>>, vector<1x64x128xf32>
    %get3A_221 = vector.shape_cast %get3A_220 : vector<1x64x128xf32> to vector<64x128xf32>
    %dot_general3A_222 = arith.constant dense<0.000000e+00> : vector<64x1024xf32>
    %dot_general3A_223 = tpu.matmul %get3A_221, %get3A_118, %dot_general3A_222 {dimension_numbers = #tpu.dot_dimension_numbers<[1], [1], [0], [0], [0, 0, 1, 0], [], []>, transpose_lhs_hint = false} : vector<64x128xf32>, vector<1024x128xf32>, vector<64x1024xf32> -> vector<64x1024xf32>
    %swap3A_224 = arith.constant 7 : index
    %swap3A_225 = arith.constant 1 : index
    %swap3A_226 = arith.constant 0 : index
    %swap3A_227 = arith.constant 0 : index
    %swap3A_228 = vector.load %arg3[%swap3A_224, %swap3A_225, %swap3A_226, %swap3A_227] : memref<8x5x64x1024xf32, #tpu.memory_space<vmem>>, vector<1x1x64x1024xf32>
    %swap3A_229 = vector.shape_cast %swap3A_228 : vector<1x1x64x1024xf32> to vector<64x1024xf32>
    %swap3A_230 = vector.shape_cast %dot_general3A_223 : vector<64x1024xf32> to vector<1x1x64x1024xf32>
    tpu.vector_store %arg3[%swap3A_224, %swap3A_225, %swap3A_226, %swap3A_227], %swap3A_230 {strides = array<i32>} : memref<8x5x64x1024xf32, #tpu.memory_space<vmem>>, vector<1x1x64x1024xf32>,
    %get3A_231 = arith.constant 2 : index
    %get3A_232 = arith.constant 0 : index
    %get3A_233 = arith.constant 0 : index
    %get3A_234 = vector.load %arg1[%get3A_231, %get3A_232, %get3A_233] : memref<5x1024x128xf32, #tpu.memory_space<vmem>>, vector<1x1024x128xf32>
    %get3A_235 = vector.shape_cast %get3A_234 : vector<1x1024x128xf32> to vector<1024x128xf32>
    %get3A_236 = arith.constant 0 : index
    %get3A_237 = arith.constant 0 : index
    %get3A_238 = arith.constant 0 : index
    %get3A_239 = vector.load %arg2[%get3A_236, %get3A_237, %get3A_238] : memref<8x64x128xf32, #tpu.memory_space<vmem>>, vector<1x64x128xf32>
    %get3A_240 = vector.shape_cast %get3A_239 : vector<1x64x128xf32> to vector<64x128xf32>
    %dot_general3A_241 = arith.constant dense<0.000000e+00> : vector<64x1024xf32>
    %dot_general3A_242 = tpu.matmul %get3A_240, %get3A_235, %dot_general3A_241 {dimension_numbers = #tpu.dot_dimension_numbers<[1], [1], [0], [0], [0, 0, 1, 0], [], []>, transpose_lhs_hint = false} : vector<64x128xf32>, vector<1024x128xf32>, vector<64x1024xf32> -> vector<64x1024xf32>
    %swap3A_243 = arith.constant 0 : index
    %swap3A_244 = arith.constant 2 : index
    %swap3A_245 = arith.constant 0 : index
    %swap3A_246 = arith.constant 0 : index
    %swap3A_247 = vector.load %arg3[%swap3A_243, %swap3A_244, %swap3A_245, %swap3A_246] : memref<8x5x64x1024xf32, #tpu.memory_space<vmem>>, vector<1x1x64x1024xf32>
    %swap3A_248 = vector.shape_cast %swap3A_247 : vector<1x1x64x1024xf32> to vector<64x1024xf32>
    %swap3A_249 = vector.shape_cast %dot_general3A_242 : vector<64x1024xf32> to vector<1x1x64x1024xf32>
    tpu.vector_store %arg3[%swap3A_243, %swap3A_244, %swap3A_245, %swap3A_246], %swap3A_249 {strides = array<i32>} : memref<8x5x64x1024xf32, #tpu.memory_space<vmem>>, vector<1x1x64x1024xf32>,
    %get3A_250 = arith.constant 1 : index
    %get3A_251 = arith.constant 0 : index
    %get3A_252 = arith.constant 0 : index
    %get3A_253 = vector.load %arg2[%get3A_250, %get3A_251, %get3A_252] : memref<8x64x128xf32, #tpu.memory_space<vmem>>, vector<1x64x128xf32>
    %get3A_254 = vector.shape_cast %get3A_253 : vector<1x64x128xf32> to vector<64x128xf32>
    %dot_general3A_255 = arith.constant dense<0.000000e+00> : vector<64x1024xf32>
    %dot_general3A_256 = tpu.matmul %get3A_254, %get3A_235, %dot_general3A_255 {dimension_numbers = #tpu.dot_dimension_numbers<[1], [1], [0], [0], [0, 0, 1, 0], [], []>, transpose_lhs_hint = false} : vector<64x128xf32>, vector<1024x128xf32>, vector<64x1024xf32> -> vector<64x1024xf32>
    %swap3A_257 = arith.constant 1 : index
    %swap3A_258 = arith.constant 2 : index
    %swap3A_259 = arith.constant 0 : index
    %swap3A_260 = arith.constant 0 : index
    %swap3A_261 = vector.load %arg3[%swap3A_257, %swap3A_258, %swap3A_259, %swap3A_260] : memref<8x5x64x1024xf32, #tpu.memory_space<vmem>>, vector<1x1x64x1024xf32>
    %swap3A_262 = vector.shape_cast %swap3A_261 : vector<1x1x64x1024xf32> to vector<64x1024xf32>
    %swap3A_263 = vector.shape_cast %dot_general3A_256 : vector<64x1024xf32> to vector<1x1x64x1024xf32>
    tpu.vector_store %arg3[%swap3A_257, %swap3A_258, %swap3A_259, %swap3A_260], %swap3A_263 {strides = array<i32>} : memref<8x5x64x1024xf32, #tpu.memory_space<vmem>>, vector<1x1x64x1024xf32>,
    %get3A_264 = arith.constant 2 : index
    %get3A_265 = arith.constant 0 : index
    %get3A_266 = arith.constant 0 : index
    %get3A_267 = vector.load %arg2[%get3A_264, %get3A_265, %get3A_266] : memref<8x64x128xf32, #tpu.memory_space<vmem>>, vector<1x64x128xf32>
    %get3A_268 = vector.shape_cast %get3A_267 : vector<1x64x128xf32> to vector<64x128xf32>
    %dot_general3A_269 = arith.constant dense<0.000000e+00> : vector<64x1024xf32>
    %dot_general3A_270 = tpu.matmul %get3A_268, %get3A_235, %dot_general3A_269 {dimension_numbers = #tpu.dot_dimension_numbers<[1], [1], [0], [0], [0, 0, 1, 0], [], []>, transpose_lhs_hint = false} : vector<64x128xf32>, vector<1024x128xf32>, vector<64x1024xf32> -> vector<64x1024xf32>
    %swap3A_271 = arith.constant 2 : index
    %swap3A_272 = arith.constant 2 : index
    %swap3A_273 = arith.constant 0 : index
    %swap3A_274 = arith.constant 0 : index
    %swap3A_275 = vector.load %arg3[%swap3A_271, %swap3A_272, %swap3A_273, %swap3A_274] : memref<8x5x64x1024xf32, #tpu.memory_space<vmem>>, vector<1x1x64x1024xf32>
    %swap3A_276 = vector.shape_cast %swap3A_275 : vector<1x1x64x1024xf32> to vector<64x1024xf32>
    %swap3A_277 = vector.shape_cast %dot_general3A_270 : vector<64x1024xf32> to vector<1x1x64x1024xf32>
    tpu.vector_store %arg3[%swap3A_271, %swap3A_272, %swap3A_273, %swap3A_274], %swap3A_277 {strides = array<i32>} : memref<8x5x64x1024xf32, #tpu.memory_space<vmem>>, vector<1x1x64x1024xf32>,
    %get3A_278 = arith.constant 3 : index
    %get3A_279 = arith.constant 0 : index
    %get3A_280 = arith.constant 0 : index
    %get3A_281 = vector.load %arg2[%get3A_278, %get3A_279, %get3A_280] : memref<8x64x128xf32, #tpu.memory_space<vmem>>, vector<1x64x128xf32>
    %get3A_282 = vector.shape_cast %get3A_281 : vector<1x64x128xf32> to vector<64x128xf32>
    %dot_general3A_283 = arith.constant dense<0.000000e+00> : vector<64x1024xf32>
    %dot_general3A_284 = tpu.matmul %get3A_282, %get3A_235, %dot_general3A_283 {dimension_numbers = #tpu.dot_dimension_numbers<[1], [1], [0], [0], [0, 0, 1, 0], [], []>, transpose_lhs_hint = false} : vector<64x128xf32>, vector<1024x128xf32>, vector<64x1024xf32> -> vector<64x1024xf32>
    %swap3A_285 = arith.constant 3 : index
    %swap3A_286 = arith.constant 2 : index
    %swap3A_287 = arith.constant 0 : index
    %swap3A_288 = arith.constant 0 : index
    %swap3A_289 = vector.load %arg3[%swap3A_285, %swap3A_286, %swap3A_287, %swap3A_288] : memref<8x5x64x1024xf32, #tpu.memory_space<vmem>>, vector<1x1x64x1024xf32>
    %swap3A_290 = vector.shape_cast %swap3A_289 : vector<1x1x64x1024xf32> to vector<64x1024xf32>
    %swap3A_291 = vector.shape_cast %dot_general3A_284 : vector<64x1024xf32> to vector<1x1x64x1024xf32>
    tpu.vector_store %arg3[%swap3A_285, %swap3A_286, %swap3A_287, %swap3A_288], %swap3A_291 {strides = array<i32>} : memref<8x5x64x1024xf32, #tpu.memory_space<vmem>>, vector<1x1x64x1024xf32>,
    %get3A_292 = arith.constant 4 : index
    %get3A_293 = arith.constant 0 : index
    %get3A_294 = arith.constant 0 : index
    %get3A_295 = vector.load %arg2[%get3A_292, %get3A_293, %get3A_294] : memref<8x64x128xf32, #tpu.memory_space<vmem>>, vector<1x64x128xf32>
    %get3A_296 = vector.shape_cast %get3A_295 : vector<1x64x128xf32> to vector<64x128xf32>
    %dot_general3A_297 = arith.constant dense<0.000000e+00> : vector<64x1024xf32>
    %dot_general3A_298 = tpu.matmul %get3A_296, %get3A_235, %dot_general3A_297 {dimension_numbers = #tpu.dot_dimension_numbers<[1], [1], [0], [0], [0, 0, 1, 0], [], []>, transpose_lhs_hint = false} : vector<64x128xf32>, vector<1024x128xf32>, vector<64x1024xf32> -> vector<64x1024xf32>
    %swap3A_299 = arith.constant 4 : index
    %swap3A_300 = arith.constant 2 : index
    %swap3A_301 = arith.constant 0 : index
    %swap3A_302 = arith.constant 0 : index
    %swap3A_303 = vector.load %arg3[%swap3A_299, %swap3A_300, %swap3A_301, %swap3A_302] : memref<8x5x64x1024xf32, #tpu.memory_space<vmem>>, vector<1x1x64x1024xf32>
    %swap3A_304 = vector.shape_cast %swap3A_303 : vector<1x1x64x1024xf32> to vector<64x1024xf32>
    %swap3A_305 = vector.shape_cast %dot_general3A_298 : vector<64x1024xf32> to vector<1x1x64x1024xf32>
    tpu.vector_store %arg3[%swap3A_299, %swap3A_300, %swap3A_301, %swap3A_302], %swap3A_305 {strides = array<i32>} : memref<8x5x64x1024xf32, #tpu.memory_space<vmem>>, vector<1x1x64x1024xf32>,
    %get3A_306 = arith.constant 5 : index
    %get3A_307 = arith.constant 0 : index
    %get3A_308 = arith.constant 0 : index
    %get3A_309 = vector.load %arg2[%get3A_306, %get3A_307, %get3A_308] : memref<8x64x128xf32, #tpu.memory_space<vmem>>, vector<1x64x128xf32>
    %get3A_310 = vector.shape_cast %get3A_309 : vector<1x64x128xf32> to vector<64x128xf32>
    %dot_general3A_311 = arith.constant dense<0.000000e+00> : vector<64x1024xf32>
    %dot_general3A_312 = tpu.matmul %get3A_310, %get3A_235, %dot_general3A_311 {dimension_numbers = #tpu.dot_dimension_numbers<[1], [1], [0], [0], [0, 0, 1, 0], [], []>, transpose_lhs_hint = false} : vector<64x128xf32>, vector<1024x128xf32>, vector<64x1024xf32> -> vector<64x1024xf32>
    %swap3A_313 = arith.constant 5 : index
    %swap3A_314 = arith.constant 2 : index
    %swap3A_315 = arith.constant 0 : index
    %swap3A_316 = arith.constant 0 : index
    %swap3A_317 = vector.load %arg3[%swap3A_313, %swap3A_314, %swap3A_315, %swap3A_316] : memref<8x5x64x1024xf32, #tpu.memory_space<vmem>>, vector<1x1x64x1024xf32>
    %swap3A_318 = vector.shape_cast %swap3A_317 : vector<1x1x64x1024xf32> to vector<64x1024xf32>
    %swap3A_319 = vector.shape_cast %dot_general3A_312 : vector<64x1024xf32> to vector<1x1x64x1024xf32>
    tpu.vector_store %arg3[%swap3A_313, %swap3A_314, %swap3A_315, %swap3A_316], %swap3A_319 {strides = array<i32>} : memref<8x5x64x1024xf32, #tpu.memory_space<vmem>>, vector<1x1x64x1024xf32>,
    %get3A_320 = arith.constant 6 : index
    %get3A_321 = arith.constant 0 : index
    %get3A_322 = arith.constant 0 : index
    %get3A_323 = vector.load %arg2[%get3A_320, %get3A_321, %get3A_322] : memref<8x64x128xf32, #tpu.memory_space<vmem>>, vector<1x64x128xf32>
    %get3A_324 = vector.shape_cast %get3A_323 : vector<1x64x128xf32> to vector<64x128xf32>
    %dot_general3A_325 = arith.constant dense<0.000000e+00> : vector<64x1024xf32>
    %dot_general3A_326 = tpu.matmul %get3A_324, %get3A_235, %dot_general3A_325 {dimension_numbers = #tpu.dot_dimension_numbers<[1], [1], [0], [0], [0, 0, 1, 0], [], []>, transpose_lhs_hint = false} : vector<64x128xf32>, vector<1024x128xf32>, vector<64x1024xf32> -> vector<64x1024xf32>
    %swap3A_327 = arith.constant 6 : index
    %swap3A_328 = arith.constant 2 : index
    %swap3A_329 = arith.constant 0 : index
    %swap3A_330 = arith.constant 0 : index
    %swap3A_331 = vector.load %arg3[%swap3A_327, %swap3A_328, %swap3A_329, %swap3A_330] : memref<8x5x64x1024xf32, #tpu.memory_space<vmem>>, vector<1x1x64x1024xf32>
    %swap3A_332 = vector.shape_cast %swap3A_331 : vector<1x1x64x1024xf32> to vector<64x1024xf32>
    %swap3A_333 = vector.shape_cast %dot_general3A_326 : vector<64x1024xf32> to vector<1x1x64x1024xf32>
    tpu.vector_store %arg3[%swap3A_327, %swap3A_328, %swap3A_329, %swap3A_330], %swap3A_333 {strides = array<i32>} : memref<8x5x64x1024xf32, #tpu.memory_space<vmem>>, vector<1x1x64x1024xf32>,
    %get3A_334 = arith.constant 7 : index
    %get3A_335 = arith.constant 0 : index
    %get3A_336 = arith.constant 0 : index
    %get3A_337 = vector.load %arg2[%get3A_334, %get3A_335, %get3A_336] : memref<8x64x128xf32, #tpu.memory_space<vmem>>, vector<1x64x128xf32>
    %get3A_338 = vector.shape_cast %get3A_337 : vector<1x64x128xf32> to vector<64x128xf32>
    %dot_general3A_339 = arith.constant dense<0.000000e+00> : vector<64x1024xf32>
    %dot_general3A_340 = tpu.matmul %get3A_338, %get3A_235, %dot_general3A_339 {dimension_numbers = #tpu.dot_dimension_numbers<[1], [1], [0], [0], [0, 0, 1, 0], [], []>, transpose_lhs_hint = false} : vector<64x128xf32>, vector<1024x128xf32>, vector<64x1024xf32> -> vector<64x1024xf32>
    %swap3A_341 = arith.constant 7 : index
    %swap3A_342 = arith.constant 2 : index
    %swap3A_343 = arith.constant 0 : index
    %swap3A_344 = arith.constant 0 : index
    %swap3A_345 = vector.load %arg3[%swap3A_341, %swap3A_342, %swap3A_343, %swap3A_344] : memref<8x5x64x1024xf32, #tpu.memory_space<vmem>>, vector<1x1x64x1024xf32>
    %swap3A_346 = vector.shape_cast %swap3A_345 : vector<1x1x64x1024xf32> to vector<64x1024xf32>
    %swap3A_347 = vector.shape_cast %dot_general3A_340 : vector<64x1024xf32> to vector<1x1x64x1024xf32>
    tpu.vector_store %arg3[%swap3A_341, %swap3A_342, %swap3A_343, %swap3A_344], %swap3A_347 {strides = array<i32>} : memref<8x5x64x1024xf32, #tpu.memory_space<vmem>>, vector<1x1x64x1024xf32>,
    %get3A_348 = arith.constant 3 : index
    %get3A_349 = arith.constant 0 : index
    %get3A_350 = arith.constant 0 : index
    %get3A_351 = vector.load %arg1[%get3A_348, %get3A_349, %get3A_350] : memref<5x1024x128xf32, #tpu.memory_space<vmem>>, vector<1x1024x128xf32>
    %get3A_352 = vector.shape_cast %get3A_351 : vector<1x1024x128xf32> to vector<1024x128xf32>
    %get3A_353 = arith.constant 0 : index
    %get3A_354 = arith.constant 0 : index
    %get3A_355 = arith.constant 0 : index
    %get3A_356 = vector.load %arg2[%get3A_353, %get3A_354, %get3A_355] : memref<8x64x128xf32, #tpu.memory_space<vmem>>, vector<1x64x128xf32>
    %get3A_357 = vector.shape_cast %get3A_356 : vector<1x64x128xf32> to vector<64x128xf32>
    %dot_general3A_358 = arith.constant dense<0.000000e+00> : vector<64x1024xf32>
    %dot_general3A_359 = tpu.matmul %get3A_357, %get3A_352, %dot_general3A_358 {dimension_numbers = #tpu.dot_dimension_numbers<[1], [1], [0], [0], [0, 0, 1, 0], [], []>, transpose_lhs_hint = false} : vector<64x128xf32>, vector<1024x128xf32>, vector<64x1024xf32> -> vector<64x1024xf32>
    %swap3A_360 = arith.constant 0 : index
    %swap3A_361 = arith.constant 3 : index
    %swap3A_362 = arith.constant 0 : index
    %swap3A_363 = arith.constant 0 : index
    %swap3A_364 = vector.load %arg3[%swap3A_360, %swap3A_361, %swap3A_362, %swap3A_363] : memref<8x5x64x1024xf32, #tpu.memory_space<vmem>>, vector<1x1x64x1024xf32>
    %swap3A_365 = vector.shape_cast %swap3A_364 : vector<1x1x64x1024xf32> to vector<64x1024xf32>
    %swap3A_366 = vector.shape_cast %dot_general3A_359 : vector<64x1024xf32> to vector<1x1x64x1024xf32>
    tpu.vector_store %arg3[%swap3A_360, %swap3A_361, %swap3A_362, %swap3A_363], %swap3A_366 {strides = array<i32>} : memref<8x5x64x1024xf32, #tpu.memory_space<vmem>>, vector<1x1x64x1024xf32>,
    %get3A_367 = arith.constant 1 : index
    %get3A_368 = arith.constant 0 : index
    %get3A_369 = arith.constant 0 : index
    %get3A_370 = vector.load %arg2[%get3A_367, %get3A_368, %get3A_369] : memref<8x64x128xf32, #tpu.memory_space<vmem>>, vector<1x64x128xf32>
    %get3A_371 = vector.shape_cast %get3A_370 : vector<1x64x128xf32> to vector<64x128xf32>
    %dot_general3A_372 = arith.constant dense<0.000000e+00> : vector<64x1024xf32>
    %dot_general3A_373 = tpu.matmul %get3A_371, %get3A_352, %dot_general3A_372 {dimension_numbers = #tpu.dot_dimension_numbers<[1], [1], [0], [0], [0, 0, 1, 0], [], []>, transpose_lhs_hint = false} : vector<64x128xf32>, vector<1024x128xf32>, vector<64x1024xf32> -> vector<64x1024xf32>
    %swap3A_374 = arith.constant 1 : index
    %swap3A_375 = arith.constant 3 : index
    %swap3A_376 = arith.constant 0 : index
    %swap3A_377 = arith.constant 0 : index
    %swap3A_378 = vector.load %arg3[%swap3A_374, %swap3A_375, %swap3A_376, %swap3A_377] : memref<8x5x64x1024xf32, #tpu.memory_space<vmem>>, vector<1x1x64x1024xf32>
    %swap3A_379 = vector.shape_cast %swap3A_378 : vector<1x1x64x1024xf32> to vector<64x1024xf32>
    %swap3A_380 = vector.shape_cast %dot_general3A_373 : vector<64x1024xf32> to vector<1x1x64x1024xf32>
    tpu.vector_store %arg3[%swap3A_374, %swap3A_375, %swap3A_376, %swap3A_377], %swap3A_380 {strides = array<i32>} : memref<8x5x64x1024xf32, #tpu.memory_space<vmem>>, vector<1x1x64x1024xf32>,
    %get3A_381 = arith.constant 2 : index
    %get3A_382 = arith.constant 0 : index
    %get3A_383 = arith.constant 0 : index
    %get3A_384 = vector.load %arg2[%get3A_381, %get3A_382, %get3A_383] : memref<8x64x128xf32, #tpu.memory_space<vmem>>, vector<1x64x128xf32>
    %get3A_385 = vector.shape_cast %get3A_384 : vector<1x64x128xf32> to vector<64x128xf32>
    %dot_general3A_386 = arith.constant dense<0.000000e+00> : vector<64x1024xf32>
    %dot_general3A_387 = tpu.matmul %get3A_385, %get3A_352, %dot_general3A_386 {dimension_numbers = #tpu.dot_dimension_numbers<[1], [1], [0], [0], [0, 0, 1, 0], [], []>, transpose_lhs_hint = false} : vector<64x128xf32>, vector<1024x128xf32>, vector<64x1024xf32> -> vector<64x1024xf32>
    %swap3A_388 = arith.constant 2 : index
    %swap3A_389 = arith.constant 3 : index
    %swap3A_390 = arith.constant 0 : index
    %swap3A_391 = arith.constant 0 : index
    %swap3A_392 = vector.load %arg3[%swap3A_388, %swap3A_389, %swap3A_390, %swap3A_391] : memref<8x5x64x1024xf32, #tpu.memory_space<vmem>>, vector<1x1x64x1024xf32>
    %swap3A_393 = vector.shape_cast %swap3A_392 : vector<1x1x64x1024xf32> to vector<64x1024xf32>
    %swap3A_394 = vector.shape_cast %dot_general3A_387 : vector<64x1024xf32> to vector<1x1x64x1024xf32>
    tpu.vector_store %arg3[%swap3A_388, %swap3A_389, %swap3A_390, %swap3A_391], %swap3A_394 {strides = array<i32>} : memref<8x5x64x1024xf32, #tpu.memory_space<vmem>>, vector<1x1x64x1024xf32>,
    %get3A_395 = arith.constant 3 : index
    %get3A_396 = arith.constant 0 : index
    %get3A_397 = arith.constant 0 : index
    %get3A_398 = vector.load %arg2[%get3A_395, %get3A_396, %get3A_397] : memref<8x64x128xf32, #tpu.memory_space<vmem>>, vector<1x64x128xf32>
    %get3A_399 = vector.shape_cast %get3A_398 : vector<1x64x128xf32> to vector<64x128xf32>
    %dot_general3A_400 = arith.constant dense<0.000000e+00> : vector<64x1024xf32>
    %dot_general3A_401 = tpu.matmul %get3A_399, %get3A_352, %dot_general3A_400 {dimension_numbers = #tpu.dot_dimension_numbers<[1], [1], [0], [0], [0, 0, 1, 0], [], []>, transpose_lhs_hint = false} : vector<64x128xf32>, vector<1024x128xf32>, vector<64x1024xf32> -> vector<64x1024xf32>
    %swap3A_402 = arith.constant 3 : index
    %swap3A_403 = arith.constant 3 : index
    %swap3A_404 = arith.constant 0 : index
    %swap3A_405 = arith.constant 0 : index
    %swap3A_406 = vector.load %arg3[%swap3A_402, %swap3A_403, %swap3A_404, %swap3A_405] : memref<8x5x64x1024xf32, #tpu.memory_space<vmem>>, vector<1x1x64x1024xf32>
    %swap3A_407 = vector.shape_cast %swap3A_406 : vector<1x1x64x1024xf32> to vector<64x1024xf32>
    %swap3A_408 = vector.shape_cast %dot_general3A_401 : vector<64x1024xf32> to vector<1x1x64x1024xf32>
    tpu.vector_store %arg3[%swap3A_402, %swap3A_403, %swap3A_404, %swap3A_405], %swap3A_408 {strides = array<i32>} : memref<8x5x64x1024xf32, #tpu.memory_space<vmem>>, vector<1x1x64x1024xf32>,
    %get3A_409 = arith.constant 4 : index
    %get3A_410 = arith.constant 0 : index
    %get3A_411 = arith.constant 0 : index
    %get3A_412 = vector.load %arg2[%get3A_409, %get3A_410, %get3A_411] : memref<8x64x128xf32, #tpu.memory_space<vmem>>, vector<1x64x128xf32>
    %get3A_413 = vector.shape_cast %get3A_412 : vector<1x64x128xf32> to vector<64x128xf32>
    %dot_general3A_414 = arith.constant dense<0.000000e+00> : vector<64x1024xf32>
    %dot_general3A_415 = tpu.matmul %get3A_413, %get3A_352, %dot_general3A_414 {dimension_numbers = #tpu.dot_dimension_numbers<[1], [1], [0], [0], [0, 0, 1, 0], [], []>, transpose_lhs_hint = false} : vector<64x128xf32>, vector<1024x128xf32>, vector<64x1024xf32> -> vector<64x1024xf32>
    %swap3A_416 = arith.constant 4 : index
    %swap3A_417 = arith.constant 3 : index
    %swap3A_418 = arith.constant 0 : index
    %swap3A_419 = arith.constant 0 : index
    %swap3A_420 = vector.load %arg3[%swap3A_416, %swap3A_417, %swap3A_418, %swap3A_419] : memref<8x5x64x1024xf32, #tpu.memory_space<vmem>>, vector<1x1x64x1024xf32>
    %swap3A_421 = vector.shape_cast %swap3A_420 : vector<1x1x64x1024xf32> to vector<64x1024xf32>
    %swap3A_422 = vector.shape_cast %dot_general3A_415 : vector<64x1024xf32> to vector<1x1x64x1024xf32>
    tpu.vector_store %arg3[%swap3A_416, %swap3A_417, %swap3A_418, %swap3A_419], %swap3A_422 {strides = array<i32>} : memref<8x5x64x1024xf32, #tpu.memory_space<vmem>>, vector<1x1x64x1024xf32>,
    %get3A_423 = arith.constant 5 : index
    %get3A_424 = arith.constant 0 : index
    %get3A_425 = arith.constant 0 : index
    %get3A_426 = vector.load %arg2[%get3A_423, %get3A_424, %get3A_425] : memref<8x64x128xf32, #tpu.memory_space<vmem>>, vector<1x64x128xf32>
    %get3A_427 = vector.shape_cast %get3A_426 : vector<1x64x128xf32> to vector<64x128xf32>
    %dot_general3A_428 = arith.constant dense<0.000000e+00> : vector<64x1024xf32>
    %dot_general3A_429 = tpu.matmul %get3A_427, %get3A_352, %dot_general3A_428 {dimension_numbers = #tpu.dot_dimension_numbers<[1], [1], [0], [0], [0, 0, 1, 0], [], []>, transpose_lhs_hint = false} : vector<64x128xf32>, vector<1024x128xf32>, vector<64x1024xf32> -> vector<64x1024xf32>
    %swap3A_430 = arith.constant 5 : index
    %swap3A_431 = arith.constant 3 : index
    %swap3A_432 = arith.constant 0 : index
    %swap3A_433 = arith.constant 0 : index
    %swap3A_434 = vector.load %arg3[%swap3A_430, %swap3A_431, %swap3A_432, %swap3A_433] : memref<8x5x64x1024xf32, #tpu.memory_space<vmem>>, vector<1x1x64x1024xf32>
    %swap3A_435 = vector.shape_cast %swap3A_434 : vector<1x1x64x1024xf32> to vector<64x1024xf32>
    %swap3A_436 = vector.shape_cast %dot_general3A_429 : vector<64x1024xf32> to vector<1x1x64x1024xf32>
    tpu.vector_store %arg3[%swap3A_430, %swap3A_431, %swap3A_432, %swap3A_433], %swap3A_436 {strides = array<i32>} : memref<8x5x64x1024xf32, #tpu.memory_space<vmem>>, vector<1x1x64x1024xf32>,
    %get3A_437 = arith.constant 6 : index
    %get3A_438 = arith.constant 0 : index
    %get3A_439 = arith.constant 0 : index
    %get3A_440 = vector.load %arg2[%get3A_437, %get3A_438, %get3A_439] : memref<8x64x128xf32, #tpu.memory_space<vmem>>, vector<1x64x128xf32>
    %get3A_441 = vector.shape_cast %get3A_440 : vector<1x64x128xf32> to vector<64x128xf32>
    %dot_general3A_442 = arith.constant dense<0.000000e+00> : vector<64x1024xf32>
    %dot_general3A_443 = tpu.matmul %get3A_441, %get3A_352, %dot_general3A_442 {dimension_numbers = #tpu.dot_dimension_numbers<[1], [1], [0], [0], [0, 0, 1, 0], [], []>, transpose_lhs_hint = false} : vector<64x128xf32>, vector<1024x128xf32>, vector<64x1024xf32> -> vector<64x1024xf32>
    %swap3A_444 = arith.constant 6 : index
    %swap3A_445 = arith.constant 3 : index
    %swap3A_446 = arith.constant 0 : index
    %swap3A_447 = arith.constant 0 : index
    %swap3A_448 = vector.load %arg3[%swap3A_444, %swap3A_445, %swap3A_446, %swap3A_447] : memref<8x5x64x1024xf32, #tpu.memory_space<vmem>>, vector<1x1x64x1024xf32>
    %swap3A_449 = vector.shape_cast %swap3A_448 : vector<1x1x64x1024xf32> to vector<64x1024xf32>
    %swap3A_450 = vector.shape_cast %dot_general3A_443 : vector<64x1024xf32> to vector<1x1x64x1024xf32>
    tpu.vector_store %arg3[%swap3A_444, %swap3A_445, %swap3A_446, %swap3A_447], %swap3A_450 {strides = array<i32>} : memref<8x5x64x1024xf32, #tpu.memory_space<vmem>>, vector<1x1x64x1024xf32>,
    %get3A_451 = arith.constant 7 : index
    %get3A_452 = arith.constant 0 : index
    %get3A_453 = arith.constant 0 : index
    %get3A_454 = vector.load %arg2[%get3A_451, %get3A_452, %get3A_453] : memref<8x64x128xf32, #tpu.memory_space<vmem>>, vector<1x64x128xf32>
    %get3A_455 = vector.shape_cast %get3A_454 : vector<1x64x128xf32> to vector<64x128xf32>
    %dot_general3A_456 = arith.constant dense<0.000000e+00> : vector<64x1024xf32>
    %dot_general3A_457 = tpu.matmul %get3A_455, %get3A_352, %dot_general3A_456 {dimension_numbers = #tpu.dot_dimension_numbers<[1], [1], [0], [0], [0, 0, 1, 0], [], []>, transpose_lhs_hint = false} : vector<64x128xf32>, vector<1024x128xf32>, vector<64x1024xf32> -> vector<64x1024xf32>
    %swap3A_458 = arith.constant 7 : index
    %swap3A_459 = arith.constant 3 : index
    %swap3A_460 = arith.constant 0 : index
    %swap3A_461 = arith.constant 0 : index
    %swap3A_462 = vector.load %arg3[%swap3A_458, %swap3A_459, %swap3A_460, %swap3A_461] : memref<8x5x64x1024xf32, #tpu.memory_space<vmem>>, vector<1x1x64x1024xf32>
    %swap3A_463 = vector.shape_cast %swap3A_462 : vector<1x1x64x1024xf32> to vector<64x1024xf32>
    %swap3A_464 = vector.shape_cast %dot_general3A_457 : vector<64x1024xf32> to vector<1x1x64x1024xf32>
    tpu.vector_store %arg3[%swap3A_458, %swap3A_459, %swap3A_460, %swap3A_461], %swap3A_464 {strides = array<i32>} : memref<8x5x64x1024xf32, #tpu.memory_space<vmem>>, vector<1x1x64x1024xf32>,
    %get3A_465 = arith.constant 4 : index
    %get3A_466 = arith.constant 0 : index
    %get3A_467 = arith.constant 0 : index
    %get3A_468 = vector.load %arg1[%get3A_465, %get3A_466, %get3A_467] : memref<5x1024x128xf32, #tpu.memory_space<vmem>>, vector<1x1024x128xf32>
    %get3A_469 = vector.shape_cast %get3A_468 : vector<1x1024x128xf32> to vector<1024x128xf32>
    %get3A_470 = arith.constant 0 : index
    %get3A_471 = arith.constant 0 : index
    %get3A_472 = arith.constant 0 : index
    %get3A_473 = vector.load %arg2[%get3A_470, %get3A_471, %get3A_472] : memref<8x64x128xf32, #tpu.memory_space<vmem>>, vector<1x64x128xf32>
    %get3A_474 = vector.shape_cast %get3A_473 : vector<1x64x128xf32> to vector<64x128xf32>
    %dot_general3A_475 = arith.constant dense<0.000000e+00> : vector<64x1024xf32>
    %dot_general3A_476 = tpu.matmul %get3A_474, %get3A_469, %dot_general3A_475 {dimension_numbers = #tpu.dot_dimension_numbers<[1], [1], [0], [0], [0, 0, 1, 0], [], []>, transpose_lhs_hint = false} : vector<64x128xf32>, vector<1024x128xf32>, vector<64x1024xf32> -> vector<64x1024xf32>
    %swap3A_477 = arith.constant 0 : index
    %swap3A_478 = arith.constant 4 : index
    %swap3A_479 = arith.constant 0 : index
    %swap3A_480 = arith.constant 0 : index
    %swap3A_481 = vector.load %arg3[%swap3A_477, %swap3A_478, %swap3A_479, %swap3A_480] : memref<8x5x64x1024xf32, #tpu.memory_space<vmem>>, vector<1x1x64x1024xf32>
    %swap3A_482 = vector.shape_cast %swap3A_481 : vector<1x1x64x1024xf32> to vector<64x1024xf32>
    %swap3A_483 = vector.shape_cast %dot_general3A_476 : vector<64x1024xf32> to vector<1x1x64x1024xf32>
    tpu.vector_store %arg3[%swap3A_477, %swap3A_478, %swap3A_479, %swap3A_480], %swap3A_483 {strides = array<i32>} : memref<8x5x64x1024xf32, #tpu.memory_space<vmem>>, vector<1x1x64x1024xf32>,
    %get3A_484 = arith.constant 1 : index
    %get3A_485 = arith.constant 0 : index
    %get3A_486 = arith.constant 0 : index
    %get3A_487 = vector.load %arg2[%get3A_484, %get3A_485, %get3A_486] : memref<8x64x128xf32, #tpu.memory_space<vmem>>, vector<1x64x128xf32>
    %get3A_488 = vector.shape_cast %get3A_487 : vector<1x64x128xf32> to vector<64x128xf32>
    %dot_general3A_489 = arith.constant dense<0.000000e+00> : vector<64x1024xf32>
    %dot_general3A_490 = tpu.matmul %get3A_488, %get3A_469, %dot_general3A_489 {dimension_numbers = #tpu.dot_dimension_numbers<[1], [1], [0], [0], [0, 0, 1, 0], [], []>, transpose_lhs_hint = false} : vector<64x128xf32>, vector<1024x128xf32>, vector<64x1024xf32> -> vector<64x1024xf32>
    %swap3A_491 = arith.constant 1 : index
    %swap3A_492 = arith.constant 4 : index
    %swap3A_493 = arith.constant 0 : index
    %swap3A_494 = arith.constant 0 : index
    %swap3A_495 = vector.load %arg3[%swap3A_491, %swap3A_492, %swap3A_493, %swap3A_494] : memref<8x5x64x1024xf32, #tpu.memory_space<vmem>>, vector<1x1x64x1024xf32>
    %swap3A_496 = vector.shape_cast %swap3A_495 : vector<1x1x64x1024xf32> to vector<64x1024xf32>
    %swap3A_497 = vector.shape_cast %dot_general3A_490 : vector<64x1024xf32> to vector<1x1x64x1024xf32>
    tpu.vector_store %arg3[%swap3A_491, %swap3A_492, %swap3A_493, %swap3A_494], %swap3A_497 {strides = array<i32>} : memref<8x5x64x1024xf32, #tpu.memory_space<vmem>>, vector<1x1x64x1024xf32>,
    %get3A_498 = arith.constant 2 : index
    %get3A_499 = arith.constant 0 : index
    %get3A_500 = arith.constant 0 : index
    %get3A_501 = vector.load %arg2[%get3A_498, %get3A_499, %get3A_500] : memref<8x64x128xf32, #tpu.memory_space<vmem>>, vector<1x64x128xf32>
    %get3A_502 = vector.shape_cast %get3A_501 : vector<1x64x128xf32> to vector<64x128xf32>
    %dot_general3A_503 = arith.constant dense<0.000000e+00> : vector<64x1024xf32>
    %dot_general3A_504 = tpu.matmul %get3A_502, %get3A_469, %dot_general3A_503 {dimension_numbers = #tpu.dot_dimension_numbers<[1], [1], [0], [0], [0, 0, 1, 0], [], []>, transpose_lhs_hint = false} : vector<64x128xf32>, vector<1024x128xf32>, vector<64x1024xf32> -> vector<64x1024xf32>
    %swap3A_505 = arith.constant 2 : index
    %swap3A_506 = arith.constant 4 : index
    %swap3A_507 = arith.constant 0 : index
    %swap3A_508 = arith.constant 0 : index
    %swap3A_509 = vector.load %arg3[%swap3A_505, %swap3A_506, %swap3A_507, %swap3A_508] : memref<8x5x64x1024xf32, #tpu.memory_space<vmem>>, vector<1x1x64x1024xf32>
    %swap3A_510 = vector.shape_cast %swap3A_509 : vector<1x1x64x1024xf32> to vector<64x1024xf32>
    %swap3A_511 = vector.shape_cast %dot_general3A_504 : vector<64x1024xf32> to vector<1x1x64x1024xf32>
    tpu.vector_store %arg3[%swap3A_505, %swap3A_506, %swap3A_507, %swap3A_508], %swap3A_511 {strides = array<i32>} : memref<8x5x64x1024xf32, #tpu.memory_space<vmem>>, vector<1x1x64x1024xf32>,
    %get3A_512 = arith.constant 3 : index
    %get3A_513 = arith.constant 0 : index
    %get3A_514 = arith.constant 0 : index
    %get3A_515 = vector.load %arg2[%get3A_512, %get3A_513, %get3A_514] : memref<8x64x128xf32, #tpu.memory_space<vmem>>, vector<1x64x128xf32>
    %get3A_516 = vector.shape_cast %get3A_515 : vector<1x64x128xf32> to vector<64x128xf32>
    %dot_general3A_517 = arith.constant dense<0.000000e+00> : vector<64x1024xf32>
    %dot_general3A_518 = tpu.matmul %get3A_516, %get3A_469, %dot_general3A_517 {dimension_numbers = #tpu.dot_dimension_numbers<[1], [1], [0], [0], [0, 0, 1, 0], [], []>, transpose_lhs_hint = false} : vector<64x128xf32>, vector<1024x128xf32>, vector<64x1024xf32> -> vector<64x1024xf32>
    %swap3A_519 = arith.constant 3 : index
    %swap3A_520 = arith.constant 4 : index
    %swap3A_521 = arith.constant 0 : index
    %swap3A_522 = arith.constant 0 : index
    %swap3A_523 = vector.load %arg3[%swap3A_519, %swap3A_520, %swap3A_521, %swap3A_522] : memref<8x5x64x1024xf32, #tpu.memory_space<vmem>>, vector<1x1x64x1024xf32>
    %swap3A_524 = vector.shape_cast %swap3A_523 : vector<1x1x64x1024xf32> to vector<64x1024xf32>
    %swap3A_525 = vector.shape_cast %dot_general3A_518 : vector<64x1024xf32> to vector<1x1x64x1024xf32>
    tpu.vector_store %arg3[%swap3A_519, %swap3A_520, %swap3A_521, %swap3A_522], %swap3A_525 {strides = array<i32>} : memref<8x5x64x1024xf32, #tpu.memory_space<vmem>>, vector<1x1x64x1024xf32>,
    %get3A_526 = arith.constant 4 : index
    %get3A_527 = arith.constant 0 : index
    %get3A_528 = arith.constant 0 : index
    %get3A_529 = vector.load %arg2[%get3A_526, %get3A_527, %get3A_528] : memref<8x64x128xf32, #tpu.memory_space<vmem>>, vector<1x64x128xf32>
    %get3A_530 = vector.shape_cast %get3A_529 : vector<1x64x128xf32> to vector<64x128xf32>
    %dot_general3A_531 = arith.constant dense<0.000000e+00> : vector<64x1024xf32>
    %dot_general3A_532 = tpu.matmul %get3A_530, %get3A_469, %dot_general3A_531 {dimension_numbers = #tpu.dot_dimension_numbers<[1], [1], [0], [0], [0, 0, 1, 0], [], []>, transpose_lhs_hint = false} : vector<64x128xf32>, vector<1024x128xf32>, vector<64x1024xf32> -> vector<64x1024xf32>
    %swap3A_533 = arith.constant 4 : index
    %swap3A_534 = arith.constant 4 : index
    %swap3A_535 = arith.constant 0 : index
    %swap3A_536 = arith.constant 0 : index
    %swap3A_537 = vector.load %arg3[%swap3A_533, %swap3A_534, %swap3A_535, %swap3A_536] : memref<8x5x64x1024xf32, #tpu.memory_space<vmem>>, vector<1x1x64x1024xf32>
    %swap3A_538 = vector.shape_cast %swap3A_537 : vector<1x1x64x1024xf32> to vector<64x1024xf32>
    %swap3A_539 = vector.shape_cast %dot_general3A_532 : vector<64x1024xf32> to vector<1x1x64x1024xf32>
    tpu.vector_store %arg3[%swap3A_533, %swap3A_534, %swap3A_535, %swap3A_536], %swap3A_539 {strides = array<i32>} : memref<8x5x64x1024xf32, #tpu.memory_space<vmem>>, vector<1x1x64x1024xf32>,
    %get3A_540 = arith.constant 5 : index
    %get3A_541 = arith.constant 0 : index
    %get3A_542 = arith.constant 0 : index
    %get3A_543 = vector.load %arg2[%get3A_540, %get3A_541, %get3A_542] : memref<8x64x128xf32, #tpu.memory_space<vmem>>, vector<1x64x128xf32>
    %get3A_544 = vector.shape_cast %get3A_543 : vector<1x64x128xf32> to vector<64x128xf32>
    %dot_general3A_545 = arith.constant dense<0.000000e+00> : vector<64x1024xf32>
    %dot_general3A_546 = tpu.matmul %get3A_544, %get3A_469, %dot_general3A_545 {dimension_numbers = #tpu.dot_dimension_numbers<[1], [1], [0], [0], [0, 0, 1, 0], [], []>, transpose_lhs_hint = false} : vector<64x128xf32>, vector<1024x128xf32>, vector<64x1024xf32> -> vector<64x1024xf32>
    %swap3A_547 = arith.constant 5 : index
    %swap3A_548 = arith.constant 4 : index
    %swap3A_549 = arith.constant 0 : index
    %swap3A_550 = arith.constant 0 : index
    %swap3A_551 = vector.load %arg3[%swap3A_547, %swap3A_548, %swap3A_549, %swap3A_550] : memref<8x5x64x1024xf32, #tpu.memory_space<vmem>>, vector<1x1x64x1024xf32>
    %swap3A_552 = vector.shape_cast %swap3A_551 : vector<1x1x64x1024xf32> to vector<64x1024xf32>
    %swap3A_553 = vector.shape_cast %dot_general3A_546 : vector<64x1024xf32> to vector<1x1x64x1024xf32>
    tpu.vector_store %arg3[%swap3A_547, %swap3A_548, %swap3A_549, %swap3A_550], %swap3A_553 {strides = array<i32>} : memref<8x5x64x1024xf32, #tpu.memory_space<vmem>>, vector<1x1x64x1024xf32>,
    %get3A_554 = arith.constant 6 : index
    %get3A_555 = arith.constant 0 : index
    %get3A_556 = arith.constant 0 : index
    %get3A_557 = vector.load %arg2[%get3A_554, %get3A_555, %get3A_556] : memref<8x64x128xf32, #tpu.memory_space<vmem>>, vector<1x64x128xf32>
    %get3A_558 = vector.shape_cast %get3A_557 : vector<1x64x128xf32> to vector<64x128xf32>
    %dot_general3A_559 = arith.constant dense<0.000000e+00> : vector<64x1024xf32>
    %dot_general3A_560 = tpu.matmul %get3A_558, %get3A_469, %dot_general3A_559 {dimension_numbers = #tpu.dot_dimension_numbers<[1], [1], [0], [0], [0, 0, 1, 0], [], []>, transpose_lhs_hint = false} : vector<64x128xf32>, vector<1024x128xf32>, vector<64x1024xf32> -> vector<64x1024xf32>
    %swap3A_561 = arith.constant 6 : index
    %swap3A_562 = arith.constant 4 : index
    %swap3A_563 = arith.constant 0 : index
    %swap3A_564 = arith.constant 0 : index
    %swap3A_565 = vector.load %arg3[%swap3A_561, %swap3A_562, %swap3A_563, %swap3A_564] : memref<8x5x64x1024xf32, #tpu.memory_space<vmem>>, vector<1x1x64x1024xf32>
    %swap3A_566 = vector.shape_cast %swap3A_565 : vector<1x1x64x1024xf32> to vector<64x1024xf32>
    %swap3A_567 = vector.shape_cast %dot_general3A_560 : vector<64x1024xf32> to vector<1x1x64x1024xf32>
    tpu.vector_store %arg3[%swap3A_561, %swap3A_562, %swap3A_563, %swap3A_564], %swap3A_567 {strides = array<i32>} : memref<8x5x64x1024xf32, #tpu.memory_space<vmem>>, vector<1x1x64x1024xf32>,
    %get3A_568 = arith.constant 7 : index
    %get3A_569 = arith.constant 0 : index
    %get3A_570 = arith.constant 0 : index
    %get3A_571 = vector.load %arg2[%get3A_568, %get3A_569, %get3A_570] : memref<8x64x128xf32, #tpu.memory_space<vmem>>, vector<1x64x128xf32>
    %get3A_572 = vector.shape_cast %get3A_571 : vector<1x64x128xf32> to vector<64x128xf32>
    %dot_general3A_573 = arith.constant dense<0.000000e+00> : vector<64x1024xf32>
    %dot_general3A_574 = tpu.matmul %get3A_572, %get3A_469, %dot_general3A_573 {dimension_numbers = #tpu.dot_dimension_numbers<[1], [1], [0], [0], [0, 0, 1, 0], [], []>, transpose_lhs_hint = false} : vector<64x128xf32>, vector<1024x128xf32>, vector<64x1024xf32> -> vector<64x1024xf32>
    %swap3A_575 = arith.constant 7 : index
    %swap3A_576 = arith.constant 4 : index
    %swap3A_577 = arith.constant 0 : index
    %swap3A_578 = arith.constant 0 : index
    %swap3A_579 = vector.load %arg3[%swap3A_575, %swap3A_576, %swap3A_577, %swap3A_578] : memref<8x5x64x1024xf32, #tpu.memory_space<vmem>>, vector<1x1x64x1024xf32>
    %swap3A_580 = vector.shape_cast %swap3A_579 : vector<1x1x64x1024xf32> to vector<64x1024xf32>
    %swap3A_581 = vector.shape_cast %dot_general3A_574 : vector<64x1024xf32> to vector<1x1x64x1024xf32>
    tpu.vector_store %arg3[%swap3A_575, %swap3A_576, %swap3A_577, %swap3A_578], %swap3A_581 {strides = array<i32>} : memref<8x5x64x1024xf32, #tpu.memory_space<vmem>>, vector<1x1x64x1024xf32>,
    return
  }
  func.func @transform_0(%arg0: i32) -> (i32, i32, i32) {
    %c0_i32 = arith.constant 0 : i32
    %c0_i32_0 = arith.constant 0 : i32
    %c0_i32_1 = arith.constant 0 : i32
    return %arg0, %c0_i32, %c0_i32_0 : i32, i32, i32
  }
  func.func @transform_1(%arg0: i32) -> (i32, i32, i32) {
    %c0_i32 = arith.constant 0 : i32
    %c0_i32_0 = arith.constant 0 : i32
    %c0_i32_1 = arith.constant 0 : i32
    %c0_i32_2 = arith.constant 0 : i32
    return %c0_i32, %c0_i32_0, %c0_i32_1 : i32, i32, i32
  }
  func.func @transform_2(%arg0: i32) -> (i32, i32, i32, i32) {
    %c0_i32 = arith.constant 0 : i32
    %c0_i32_0 = arith.constant 0 : i32
    %c0_i32_1 = arith.constant 0 : i32
    %c0_i32_2 = arith.constant 0 : i32
    return %c0_i32, %arg0, %c0_i32_0, %c0_i32_1 : i32, i32, i32, i32
  }
}

</mosaic_0001>

<sc_bundles>
// kernel: kernel.5.cloned.1.call-start
scs
__scs_entry_jumppad:
0x0: {  	(pc) =	sbr.rel $0x88, $3  }
0x1: {  	(tag) =	ssettag $0x0;
	lr =	simm.s32 $0x1  }
0x2: {  	[smem:$0x3F9D] =	sst lr;
	_ =	strace $0xD0000000  }
0x3: {  	_ = 	snop  }
0x4: {  	_ = 	snop  }
0x5: {  	_ = 	snop  }
0x6: {  	_ = 	snop  }
0x7: {  	_ = 	snop  }
__scs_overlays_trampoline_lowered:
0x8: {  	[smem:$0x3FAC] =	sst s0  }
0x9: {  	[smem:$0x3FAD] =	sst s1  }
0xa: {  	[smem:$0x3FAE] =	sst s2  }
0xb: {  	[smem:$0x3FAF] =	sst s3  }
0xc: {  	[smem:$0x3FB0] =	sst s4  }
0xd: {  	[smem:$0x3FB1] =	sst s5  }
0xe: {  	[smem:$0x3FB2] =	sst s6  }
0xf: {  	[smem:$0x3FB3] =	sst s7  }
0x10: {  	[smem:$0x3FB4] =	sst s8  }
0x11: {  	[smem:$0x3FB5] =	sst s9;
	s0 =	simm.s32 @!p0 $0x0  }
0x12: {  	s1 =	sld [smem:$0x3F9B];
	s0 =	simm.s32 @p0 $0x1  }
0x13: {  	[smem:$0x3FB6] =	sst s0;
	s0 =	simm.s32 @!p1 $0x0  }
0x14: {  	s2 =	sld [smem:$0x3F9A];
	s0 =	simm.s32 @p1 $0x1  }
0x15: {  	[smem:$0x3FB7] =	sst s0;
	s0 =	simm.s32 @!p2 $0x0  }
0x16: {  	s3 =	sld [smem:$0x3FDB];
	s0 =	simm.s32 @p2 $0x1  }
0x17: {  	s4 =	simm.s32 $0x1BF5;
	[smem:$0x3FB9] =	sst s0  }
0x18: {  	s0 =	sld [smem:$0x3F9C];
	_ =	swait.ge [sflag:s4], $0x0  }
0x19: {  	s7 =	sld [smem:$0x3F9D]  }
0x1a: {  	s8 =	sadd.s32 $0xFFFFE003, lr  }
0x1b: {  	s9 =	sadd.s32 $0xFFFFFEF7, lr;
	s5 =	simm.s32 $0xFFFFFFFF;
	p2 =	slt.u32 s8, $0xFFFFF086  }
0x1c: {  	p1 =	slt.u32 s9, $0xF7A;
	s5 =	simm.s32 @!p2 $0x0  }
0x1d: {  	s5 =	simm.s32 @p1 $0x1;
	p0 =	seq.s32 s7, s2  }
0x1e: {  	s7 =	smul.u32 @!p0 $0xF7A, s2;
	p2 =	seq.s32 @!p0 s5, $0x0  }
0x1f: {  	s9 =	smul.u32 $0xF7A, s1;
	s8 =	simm.s32 @!p0 $0x1BF5;
	p2 =	por !p2, p0  }
0x20: {  	[sflag:s8] =	ssyncset.s32 @!p0 $0xFFFFF086;
	s6 =	sadd.s32 @!p0 s3, s7;
	s7 =	simm.s32 @!p0 $0x108  }
0x21: {  	s3 =	sadd.s32 s3, s9;
	s6 =	sadd.s32 @!p0 $0x88, s6;
	s7 =	simm.s32 @p2 $0x1082  }
0x22: {  	[simem:s7], [sflag:s8] =	dma.local @!p0 [hbm:s6], $0xF7A  }
0x23: {  	s9 =	sor.u32 $0xD0000000, s2;
	s6 =	simm.s32 $0x108;
	_ =	swait.ge @!p0 [sflag:s8], $0x0  }
0x24: {  	s3 =	sadd.s32 $0x88, s3;
	s6 =	simm.s32 @!p1 $0x1082;
	[sflag:s4] =	ssyncset.s32 $0xFFFFF086  }
0x25: {  	[simem:s6], [sflag:s4] =	dma.local [hbm:s3], $0xF7A  }
0x26: {  	[smem:$0x3F9D] =	sst s1;
	(tag) =	ssettag s2;
	_ =	strace s9  }
0x27: {  	s1 =	sld [smem:$0x3FAD]  }
0x28: {  	s2 =	sld [smem:$0x3FAE]  }
0x29: {  	s4 =	sld [smem:$0x3FB0]  }
0x2a: {  	p0 =	seq.s32 s5, $0x0;
	s5 =	sld [smem:$0x3FB1]  }
0x2b: {  	s6 =	sld [smem:$0x3FB2]  }
0x2c: {  	s7 =	sld [smem:$0x3FB3]  }
0x2d: {  	s3 =	simm.s32 $0x108;
	s8 =	sld [smem:$0x3FB4]  }
0x2e: {  	s3 =	simm.s32 @!p0 $0x1082;
	s9 =	sld [smem:$0x3FB5]  }
0x2f: {  	lr =	sadd.s32 s0, s3;
	s0 =	sld [smem:$0x3FAC]  }
0x30: {  	s3 =	sld [smem:$0x3FAF]  }
0x31: {  	[smem:$0x3FB8] =	sst s10  }
0x32: {  	s10 =	sld [smem:$0x3FB6];
	_ =	sdelay $0x3  }
0x33: {  	p0 =	seq.s32 s10, $0x1;
	s10 =	sld [smem:$0x3FB8];
	_ =	sdelay $0x3  }
0x34: {  	[smem:$0x3FB8] =	sst s10  }
0x35: {  	s10 =	sld [smem:$0x3FB7];
	_ =	sdelay $0x3  }
0x36: {  	p1 =	seq.s32 s10, $0x1;
	s10 =	sld [smem:$0x3FB8];
	_ =	sdelay $0x3  }
0x37: {  	[smem:$0x3FB8] =	sst s10  }
0x38: {  	s10 =	sld [smem:$0x3FB9]  }
0x39: {  	_ = 	snop;
	(pc) =	sbr.ind lr, $3  }
0x3a: {  	_ = 	snop  }
0x3b: {  	_ = 	snop  }
0x3c: {  	p2 =	seq.s32 s10, $0x1;
	s10 =	sld [smem:$0x3FB8]  }
0x3d: {  	_ =	shalt  }
0x3e: {  	_ =	shalt  }
0x3f: {  	_ =	shalt  }
0x40: {  	_ =	shalt  }
0x41: {  	_ =	shalt  }
0x42: {  	_ =	shalt  }
0x43: {  	_ =	shalt  }
0x44: {  	_ =	shalt  }
0x45: {  	_ =	shalt  }
0x46: {  	_ =	shalt  }
0x47: {  	_ =	shalt  }
0x48: {  	_ =	shalt  }
0x49: {  	_ =	shalt  }
0x4a: {  	_ =	shalt  }
0x4b: {  	_ =	shalt  }
0x4c: {  	_ =	shalt  }
0x4d: {  	_ =	shalt  }
0x4e: {  	_ =	shalt  }
0x4f: {  	_ =	shalt  }
0x50: {  	_ =	shalt  }
0x51: {  	_ =	shalt  }
0x52: {  	_ =	shalt  }
0x53: {  	_ =	shalt  }
0x54: {  	_ =	shalt  }
0x55: {  	_ =	shalt  }
0x56: {  	_ =	shalt  }
0x57: {  	_ =	shalt  }
0x58: {  	_ =	shalt  }
0x59: {  	_ =	shalt  }
0x5a: {  	_ =	shalt  }
0x5b: {  	_ =	shalt  }
0x5c: {  	_ =	shalt  }
0x5d: {  	_ =	shalt  }
0x5e: {  	_ =	shalt  }
0x5f: {  	_ =	shalt  }
0x60: {  	_ =	shalt  }
0x61: {  	_ =	shalt  }
0x62: {  	_ =	shalt  }
0x63: {  	_ =	shalt  }
0x64: {  	_ =	shalt  }
0x65: {  	_ =	shalt  }
0x66: {  	_ =	shalt  }
0x67: {  	_ =	shalt  }
0x68: {  	_ =	shalt  }
0x69: {  	_ =	shalt  }
0x6a: {  	_ =	shalt  }
0x6b: {  	_ =	shalt  }
0x6c: {  	_ =	shalt  }
0x6d: {  	_ =	shalt  }
0x6e: {  	_ =	shalt  }
0x6f: {  	_ =	shalt  }
0x70: {  	_ =	shalt  }
0x71: {  	_ =	shalt  }
0x72: {  	_ =	shalt  }
0x73: {  	_ =	shalt  }
0x74: {  	_ =	shalt  }
0x75: {  	_ =	shalt  }
0x76: {  	_ =	shalt  }
0x77: {  	_ =	shalt  }
0x78: {  	_ =	shalt  }
0x79: {  	_ =	shalt  }
0x7a: {  	_ =	shalt  }
0x7b: {  	_ =	shalt  }
0x7c: {  	_ =	shalt  }
0x7d: {  	_ =	shalt  }
0x7e: {  	_ =	shalt  }
0x7f: {  	_ =	shalt  }
0x80: {  	_ =	shalt  }
0x81: {  	_ =	shalt  }
0x82: {  	_ =	shalt  }
0x83: {  	_ =	shalt  }
0x84: {  	_ =	shalt  }
0x85: {  	_ =	shalt  }
0x86: {  	_ =	shalt  }
0x87: {  	_ =	shalt  }
.Lfunc_end0:
.L_simem_size_0:
called_computation_lowered:
.L_overlay_start_0:
0x88: {  	s2 =	sld [smem:$0x3FD9]  }
0x89: {  	s3 =	sld [smem:$0x3FFE];
	_ =	sdelay $0x1  }
0x8a: {  	s1 =	srdreg.scid  }
0x8b: {  	s0 =	sand.u32 $0x1, s1  }
0x8c: {  	s17 =	sshll.u32 s0, $0xA;
	s2 =	sadd.s32 s3, s2  }
0x8d: {  	s2 =	sadd.s32 s2, s17  }
0x8e: {  	[smem:$0x3FC4] =	sst s2  }
0x8f: {  	_ = 	snop  }
0x90: {  	s2 =	sld [smem:$0x3FD0];
	(tm) =	ssettm $0x1  }
0x91: {  	s18 =	sld [smem:$0x3FFB];
	_ =	sdelay $0x3  }
0x92: {  	_ =	strace s18  }
0x93: {  	s3 =	sld [smem:$0x3FFC];
	_ =	sdelay $0x3  }
0x94: {  	_ =	strace s3  }
0x95: {  	s3 =	sld [smem:$0x3FFD];
	_ =	sdelay $0x3  }
0x96: {  	_ =	strace s3  }
0x97: {  	_ =	strace $0x8FFFFFFF  }
0x98: {  	s19 =	sld [smem:$0x3FDB];
	_ =	sdelay $0x1  }
0x99: {  	s4 =	simm.s32 $_scs_section_size  }
0x9a: {  	s5 =	simm.s32 $_size__tile_overlayer_lowered;
	s6 =	simm.s32 $_tile_overlayer_lowered  }
0x9b: {  	s22 =	simm.s32 $0x1BFF;
	s21 =	sshll.u32 s6, $0x1;
	s3 =	sadd.s32 s4, s19  }
0x9c: {  	s7 =	simm.s32 $0x0;
	s20 =	sshll.u32 s5, $0x1;
	s5 =	sadd.s32 s21, s3  }
0x9d: {  	[timem:s7], [sflag:s22] =	dma.local [hbm:s5], s20  }
0x9e: {  	_ =	swait.ge [sflag:s22], s20  }
0x9f: {  	s4 =	ssub.s32 $0x0, s20;
	[sflag:s22] =	ssyncset.done $0x0  }
0xa0: {  	[sflag:s22] =	ssyncadd.s32 s4;
	_ =	sdelay $0x1  }
0xa1: {  	s23 =	simm.s32 $0x1B8B  }
0xa2: {  	_ =	swait.ge [sflag:s23], $0x1  }
0xa3: {  	[sflag:s23] =	ssyncset.done $0x0  }
0xa4: {  	s25 =	simm.s32 $0x1B8E;
	s24 =	sld [smem:$0x3FFE];
	[sflag:s23] =	ssyncadd.s32 $0xFFFFFFFF  }
0xa5: {  	s26 =	simm.s32 $execute0_lowered;
	[smem:$0x3FD2] =	sst s25  }
0xa6: {  	s5 =	sshll.u32 s26, $0x1;
	_ =	strace $0x80000046;
	[dreg:$0x1] =	wrdreg $0xFFFFFFFF  }
0xa7: {  	s28 =	simm.s32 $_size_execute0_lowered;
	s3 =	sadd.s32 s3, s5;
	[dreg:$0x0] =	wrdreg $0x0  }
0xa8: {  	s5 =	sshll.u32 s28, $0x1;
	[dreg:$0x2] =	wrdreg s3  }
0xa9: {  	[dreg:$0x3] =	wrdreg s5  }
0xaa: {  	[dreg:$0x4] =	wrdreg $0xC0  }
0xab: {  	_ =	task [dreg:s7], $0x5FFFF  }
0xac: {  	[dreg:$0x1] =	wrdreg $0xFFFFFFFF  }
0xad: {  	[dreg:$0x0] =	wrdreg $0x60  }
0xae: {  	[dreg:$0x2] =	wrdreg s24  }
0xaf: {  	[dreg:$0x3] =	wrdreg s2  }
0xb0: {  	[dreg:$0x4] =	wrdreg $0x9  }
0xb1: {  	_ =	task.clear_ibuf [dreg:s7], $0x5FFFF;
	_ =	strace $0x90000046  }
0xb2: {  	s29 =	simm.s32 $0x9;
	_ =	strace $0x80000048  }
0xb3: {  	_ =	swait.ge [sflag:s29], $0x1  }
0xb4: {  	[sflag:s29] =	ssyncadd.s32 $0xFFFFFFFF  }
0xb5: {  	_ =	strace $0x90000048  }
0xb6: {  	_ =	sfence  }
0xb7: {  	s30 =	sld [smem:$0x0];
	_ =	sdelay $0x2  }
0xb8: {  	s31 =	sshll.u32 s1, $0xD;
	s1 =	sshrl.u32 s1, $0x2  }
0xb9: {  	s3 =	sand.u32 $0x4000, s31;
	s1 =	sadd.s32 s1, s30  }
0xba: {  	s0 =	sor.u32 s3, s0;
	s1 =	sshll.u32 s1, $0x11  }
0xbb: {  	s0 =	sor.u32 s1, s0  }
0xbc: {  	s0 =	sadd.s32 $0x8F2B, s0  }
0xbd: {  	[sflag:s0] =	ssyncadd.remote.s32 $0x1  }
0xbe: {  	_ =	sfence.sel $0xFFFF  }
0xbf: {  	[dreg:$0x0] =	wrdreg $0xFFFFFFFF;
	(pc) =	sbr.abs _section_cstart, $3  }
0xc0: {  	[dreg:$0x1] =	wrdreg $0xFFFFFFFF  }
0xc1: {  	_ =	task.clear_ibuf [dreg:s7], $0x2FFFF;
	_ =	strace $0x9FFFFFFF  }
0xc2: {  	(tm) =	ssettm $0x7FFFFFFF  }
0xc3: {  	_ =	shalt  }
tec
execute0_lowered:
.L_overlay_start_1:
0x0: {  	(tag) =	ssettag $0x1  }
0x1: {  	s0 =	srdreg.scid  }
0x2: {  	s2 =	stileid.u32;
	s1 =	rddreg [dreg:$0x0]  }
0x3: {  	s4 =	rddreg [dreg:$0x1];
	s8 =	simm.s32 $0x80;
	s14 =	simm.s32 $0x4680  }
0x4: {  	s15 =	simm.s32 $0x8680;
	s10 =	simm.s32 $0x10;
	s16 =	simm.s32 $0xC680  }
0x5: {  	s28 =	simm.s32 $0x190;
	s29 =	simm.s32 $0x210;
	s11 =	simm.s32 $0x10E80  }
0x6: {  	s30 =	simm.s32 $0x290;
	s12 =	simm.s32 $0x14E80;
	s31 =	simm.s32 $0x310  }
0x7: {  	s13 =	simm.s32 $0x18E80;
	s9 =	simm.s32 $0x1;
	s21 =	simm.s32 $0x320  }
0x8: {  	s22 =	simm.s32 $0x3A0;
	s23 =	simm.s32 $0x420;
	p0 =	por $0x0, $0x0  }
0x9: {  	s7 =	simm.s32 $0x2;
	s0 =	sand.u32 $0x1, s0;
	s2 =	sshll.u32 s2, $0x1  }
0xa: {  	s17 =	simm.s32 $0x4B0;
	s18 =	simm.s32 $0x530;
	s3 =	sor.u32 s0, s2  }
0xb: {  	s19 =	simm.s32 $0x5B0;
	s20 =	simm.s32 $0x630;
	s5 =	smul.u32 $0xC8, s3  }
0xc: {  	s2 =	simm.s32 $0x0;
	s0 =	ssub.s32 $0x2, s0;
	s6 =	smul.u32 $0x32000, s3  }
0xd: {  	[smem:$0x7FF] =	sst s2;
	s3 =	smul.u32 $0x6400, s3;
	s25 =	sshrl.u32 s0, $0x1  }
0xe: {  	_ =	strace $0x80000047;
	s0 =	ssub.s32 s0, s25;
	s25 =	simm.s32 $0x100  }
0xf: {  	s5 =	sadd.s32 s5, s1;
	s1 =	sadd.s32 $0x2000, s1;
	s6 =	sshrl.u32 s6, $0x3  }
0x10: {  	s0 =	smax.u32 s0, $0x1;
	s5 =	sadd.s32 $0x600, s5;
	s3 =	sadd.s32 s1, s3  }
0x11: {  	s1 =	sadd.s32 s1, s6;
	p1 =	sne.s32 s0, $0x1;
	[dreg:$0x3] =	wrdreg s5  }
.Ltmp0:
0x12: {  	[dreg:$0x4] =	wrdreg s3;
	s24 =	sadd.s32 $0x1900, s1;
	(pc) =	sbr.rel @!p1 .LBB2_3-.Ltmp0, $4  }
0x13: {  	s6 =	simm.s32 $0x680;
	s26 =	sadd.s32 $0x3200, s1;
	[dreg:$0x5] =	wrdreg s24  }
0x14: {  	s1 =	sadd.s32 $0x4B00, s1;
	s3 =	simm.s32 $0x3;
	[dreg:$0x6] =	wrdreg s26  }
0x15: {  	s5 =	simm.s32 $0xCE80;
	[dreg:$0x7] =	wrdreg s1;
	s26 =	simm.s32 $0x180  }
0x16: {  	s1 =	sadd.s32 $0xFFFFFFFF, s0;
	s24 =	simm.s32 $0x4A0;
	s0 =	rddreg [dreg:$0x3]  }
0x17: {  	[tilespmem:s2], [sflag:$0x3] =	stream.linear.gather [hbm4b:s0+s2], $0x640, $0x38;
	[tilespmem:$0x19680] =	vst v63  }
0x18: {  	_ =	swait.ge [sflag:s3], $0x640  }
0x19: {  	[sflag:s3] =	ssyncset.done $0x0  }
0x1a: {  	[sflag:s3] =	ssyncadd.s32 $0xFFFFF9C0  }
0x1b: {  	[tilespmem:s6], [sflag:$0x1] =	stream.indirect.gather [hbm4b:s4+s8], $0x80, s2, s8, $0xb8;
	[tilespmem:$0x19680] =	vst v63  }
0x1c: {  	_ = 	snop  }
0x1d: {  	[tilespmem:s14], [sflag:$0x1] =	stream.indirect.gather [hbm4b:s4+s8], $0x80, s8, s8, $0xb8;
	[tilespmem:$0x19680] =	vst v63  }
0x1e: {  	_ = 	snop  }
0x1f: {  	[tilespmem:s15], [sflag:$0x1] =	stream.indirect.gather [hbm4b:s4+s8], $0x80, s25, s8, $0xb8;
	[tilespmem:$0x19680] =	vst v63  }
0x20: {  	_ = 	snop  }
0x21: {  	[tilespmem:s16], [sflag:$0x1] =	stream.indirect.gather [hbm4b:s4+s10], $0x80, s26, s10, $0xb8;
	[tilespmem:$0x19680] =	vst v63  }
0x22: {  	_ = 	snop  }
0x23: {  	[tilespmem:s5], [sflag:$0x2] =	stream.indirect.gather [hbm4b:s4+s8], $0x80, s28, s8, $0xb8;
	[tilespmem:$0x19680] =	vst v63  }
0x24: {  	_ = 	snop  }
0x25: {  	[tilespmem:s11], [sflag:$0x2] =	stream.indirect.gather [hbm4b:s4+s8], $0x80, s29, s8, $0xb8;
	[tilespmem:$0x19680] =	vst v63  }
0x26: {  	_ = 	snop  }
0x27: {  	[tilespmem:s12], [sflag:$0x2] =	stream.indirect.gather [hbm4b:s4+s8], $0x80, s30, s8, $0xb8;
	[tilespmem:$0x19680] =	vst v63  }
0x28: {  	_ = 	snop  }
0x29: {  	[tilespmem:s13], [sflag:$0x2] =	stream.indirect.gather [hbm4b:s4+s10], $0x80, s31, s10, $0xb8;
	[tilespmem:$0x19680] =	vst v63  }
0x2a: {  	_ =	swait.ge [sflag:s9], $0x4000  }
0x2b: {  	[sflag:s9] =	ssyncset.done $0x0  }
0x2c: {  	[sflag:s9] =	ssyncadd.s32 $0xFFFFC000  }
0x2d: {  	_ =	swait.ge [sflag:s9], $0x4000  }
0x2e: {  	[sflag:s9] =	ssyncset.done $0x0  }
0x2f: {  	[sflag:s9] =	ssyncadd.s32 $0xFFFFC000  }
0x30: {  	_ =	swait.ge [sflag:s9], $0x4000  }
0x31: {  	[sflag:s9] =	ssyncset.done $0x0  }
0x32: {  	[sflag:s9] =	ssyncadd.s32 $0xFFFFC000  }
0x33: {  	_ =	swait.ge [sflag:s9], $0x800  }
0x34: {  	[sflag:s9] =	ssyncset.done $0x0  }
0x35: {  	s0 =	rddreg [dreg:$0x4];
	[sflag:s9] =	ssyncadd.s32 $0xFFFFF800  }
0x36: {  	[hbm4b:s0+s2] =	stream.linear.scatter [tilespmem:s6], [sflag:$0x3], $0xC800, $0x38;
	[tilespmem:$0x19680] =	vst v63  }
0x37: {  	_ =	swait.ge [sflag:s3], $0xC800  }
0x38: {  	[sflag:s3] =	ssyncset.done $0x0  }
0x39: {  	[sflag:s3] =	ssyncadd.s32 $0xFFFF3800  }
0x3a: {  	[tilespmem:s6], [sflag:$0x1] =	stream.indirect.gather [hbm4b:s4+s8], $0x80, s21, s8, $0xb8;
	[tilespmem:$0x19680] =	vst v63  }
0x3b: {  	_ = 	snop  }
0x3c: {  	[tilespmem:s14], [sflag:$0x1] =	stream.indirect.gather [hbm4b:s4+s8], $0x80, s22, s8, $0xb8;
	[tilespmem:$0x19680] =	vst v63  }
0x3d: {  	_ = 	snop  }
0x3e: {  	[tilespmem:s15], [sflag:$0x1] =	stream.indirect.gather [hbm4b:s4+s8], $0x80, s23, s8, $0xb8;
	[tilespmem:$0x19680] =	vst v63  }
0x3f: {  	_ = 	snop  }
0x40: {  	[tilespmem:s16], [sflag:$0x1] =	stream.indirect.gather [hbm4b:s4+s10], $0x80, s24, s10, $0xb8;
	[tilespmem:$0x19680] =	vst v63  }
0x41: {  	_ =	swait.ge [sflag:s7], $0x4000  }
0x42: {  	[sflag:s7] =	ssyncset.done $0x0  }
0x43: {  	[sflag:s7] =	ssyncadd.s32 $0xFFFFC000  }
0x44: {  	_ =	swait.ge [sflag:s7], $0x4000  }
0x45: {  	[sflag:s7] =	ssyncset.done $0x0  }
0x46: {  	[sflag:s7] =	ssyncadd.s32 $0xFFFFC000  }
0x47: {  	_ =	swait.ge [sflag:s7], $0x4000  }
0x48: {  	[sflag:s7] =	ssyncset.done $0x0  }
0x49: {  	[sflag:s7] =	ssyncadd.s32 $0xFFFFC000  }
0x4a: {  	_ =	swait.ge [sflag:s7], $0x800  }
0x4b: {  	[sflag:s7] =	ssyncset.done $0x0  }
0x4c: {  	s0 =	rddreg [dreg:$0x5];
	[sflag:s7] =	ssyncadd.s32 $0xFFFFF800  }
0x4d: {  	[hbm4b:s0+s2] =	stream.linear.scatter [tilespmem:s5], [sflag:$0x3], $0xC800, $0x38;
	[tilespmem:$0x19680] =	vst v63  }
0x4e: {  	_ =	swait.ge [sflag:s3], $0xC800  }
0x4f: {  	[sflag:s3] =	ssyncset.done $0x0  }
0x50: {  	[sflag:s3] =	ssyncadd.s32 $0xFFFF3800  }
0x51: {  	[tilespmem:s5], [sflag:$0x2] =	stream.indirect.gather [hbm4b:s4+s8], $0x80, s17, s8, $0xb8;
	[tilespmem:$0x19680] =	vst v63  }
0x52: {  	_ = 	snop  }
0x53: {  	[tilespmem:s11], [sflag:$0x2] =	stream.indirect.gather [hbm4b:s4+s8], $0x80, s18, s8, $0xb8;
	[tilespmem:$0x19680] =	vst v63  }
0x54: {  	_ = 	snop  }
0x55: {  	[tilespmem:s12], [sflag:$0x2] =	stream.indirect.gather [hbm4b:s4+s8], $0x80, s19, s8, $0xb8;
	[tilespmem:$0x19680] =	vst v63  }
0x56: {  	_ = 	snop  }
0x57: {  	[tilespmem:s13], [sflag:$0x2] =	stream.indirect.gather [hbm4b:s4+s10], $0x80, s20, s10, $0xb8;
	[tilespmem:$0x19680] =	vst v63  }
0x58: {  	_ =	swait.ge [sflag:s9], $0x4000  }
0x59: {  	[sflag:s9] =	ssyncset.done $0x0  }
0x5a: {  	[sflag:s9] =	ssyncadd.s32 $0xFFFFC000  }
0x5b: {  	_ =	swait.ge [sflag:s9], $0x4000  }
0x5c: {  	[sflag:s9] =	ssyncset.done $0x0  }
0x5d: {  	[sflag:s9] =	ssyncadd.s32 $0xFFFFC000  }
0x5e: {  	_ =	swait.ge [sflag:s9], $0x4000  }
0x5f: {  	[sflag:s9] =	ssyncset.done $0x0  }
0x60: {  	[sflag:s9] =	ssyncadd.s32 $0xFFFFC000  }
0x61: {  	_ =	swait.ge [sflag:s9], $0x800  }
0x62: {  	[sflag:s9] =	ssyncset.done $0x0  }
0x63: {  	s0 =	rddreg [dreg:$0x6];
	[sflag:s9] =	ssyncadd.s32 $0xFFFFF800  }
0x64: {  	[hbm4b:s0+s2] =	stream.linear.scatter [tilespmem:s6], [sflag:$0x3], $0xC800, $0x38;
	[tilespmem:$0x19680] =	vst v63  }
0x65: {  	_ =	swait.ge [sflag:s3], $0xC800  }
0x66: {  	[sflag:s3] =	ssyncset.done $0x0  }
0x67: {  	[sflag:s3] =	ssyncadd.s32 $0xFFFF3800  }
0x68: {  	_ =	swait.ge [sflag:s7], $0x4000  }
0x69: {  	[sflag:s7] =	ssyncset.done $0x0  }
0x6a: {  	[sflag:s7] =	ssyncadd.s32 $0xFFFFC000  }
0x6b: {  	_ =	swait.ge [sflag:s7], $0x4000  }
0x6c: {  	[sflag:s7] =	ssyncset.done $0x0  }
0x6d: {  	[sflag:s7] =	ssyncadd.s32 $0xFFFFC000  }
0x6e: {  	_ =	swait.ge [sflag:s7], $0x4000  }
0x6f: {  	[sflag:s7] =	ssyncset.done $0x0  }
0x70: {  	[sflag:s7] =	ssyncadd.s32 $0xFFFFC000  }
0x71: {  	p1 =	sne.s32 s1, $0x1;
	_ =	swait.ge [sflag:s7], $0x800  }
.Ltmp1:
0x72: {  	[sflag:s7] =	ssyncset.done $0x0;
	(pc) =	sbr.rel @!p1 .LBB2_3-.Ltmp1, $4  }
0x73: {  	s0 =	rddreg [dreg:$0x7];
	[sflag:s7] =	ssyncadd.s32 $0xFFFFF800  }
0x74: {  	[hbm4b:s0+s2] =	stream.linear.scatter [tilespmem:s5], [sflag:$0x3], $0xC800, $0x38;
	[tilespmem:$0x19680] =	vst v63  }
0x75: {  	s1 =	sadd.s32 $0xFFFFFFFF, s1;
	_ =	swait.ge [sflag:s3], $0xC800  }
0x76: {  	p0 =	por $0x1, $0x1;
	s0 =	rddreg [dreg:$0x3];
	[sflag:s3] =	ssyncset.done $0x0  }
.LBB2_2:
0x77: {  	[sflag:s3] =	ssyncadd.s32 $0xFFFF3800  }
0x78: {  	[tilespmem:s2], [sflag:$0x3] =	stream.linear.gather [hbm4b:s0+s2], $0x640, $0x38;
	[tilespmem:$0x19680] =	vst v63  }
0x79: {  	_ =	swait.ge [sflag:s3], $0x640  }
0x7a: {  	[sflag:s3] =	ssyncset.done $0x0  }
0x7b: {  	[sflag:s3] =	ssyncadd.s32 $0xFFFFF9C0  }
0x7c: {  	[tilespmem:s6], [sflag:$0x1] =	stream.indirect.gather [hbm4b:s4+s8], $0x80, s2, s8, $0xb8;
	[tilespmem:$0x19680] =	vst v63  }
0x7d: {  	_ = 	snop  }
0x7e: {  	[tilespmem:s14], [sflag:$0x1] =	stream.indirect.gather [hbm4b:s4+s8], $0x80, s8, s8, $0xb8;
	[tilespmem:$0x19680] =	vst v63  }
0x7f: {  	_ = 	snop  }
0x80: {  	[tilespmem:s15], [sflag:$0x1] =	stream.indirect.gather [hbm4b:s4+s8], $0x80, s25, s8, $0xb8;
	[tilespmem:$0x19680] =	vst v63  }
0x81: {  	_ = 	snop  }
0x82: {  	[tilespmem:s16], [sflag:$0x1] =	stream.indirect.gather [hbm4b:s4+s10], $0x80, s26, s10, $0xb8;
	[tilespmem:$0x19680] =	vst v63  }
0x83: {  	_ = 	snop  }
0x84: {  	[tilespmem:s5], [sflag:$0x2] =	stream.indirect.gather [hbm4b:s4+s8], $0x80, s28, s8, $0xb8;
	[tilespmem:$0x19680] =	vst v63  }
0x85: {  	_ = 	snop  }
0x86: {  	[tilespmem:s11], [sflag:$0x2] =	stream.indirect.gather [hbm4b:s4+s8], $0x80, s29, s8, $0xb8;
	[tilespmem:$0x19680] =	vst v63  }
0x87: {  	_ = 	snop  }
0x88: {  	[tilespmem:s12], [sflag:$0x2] =	stream.indirect.gather [hbm4b:s4+s8], $0x80, s30, s8, $0xb8;
	[tilespmem:$0x19680] =	vst v63  }
0x89: {  	_ = 	snop  }
0x8a: {  	[tilespmem:s13], [sflag:$0x2] =	stream.indirect.gather [hbm4b:s4+s10], $0x80, s31, s10, $0xb8;
	[tilespmem:$0x19680] =	vst v63  }
0x8b: {  	_ =	swait.ge [sflag:s9], $0x4000  }
0x8c: {  	[sflag:s9] =	ssyncset.done $0x0  }
0x8d: {  	[sflag:s9] =	ssyncadd.s32 $0xFFFFC000  }
0x8e: {  	_ =	swait.ge [sflag:s9], $0x4000  }
0x8f: {  	[sflag:s9] =	ssyncset.done $0x0  }
0x90: {  	[sflag:s9] =	ssyncadd.s32 $0xFFFFC000  }
0x91: {  	_ =	swait.ge [sflag:s9], $0x4000  }
0x92: {  	[sflag:s9] =	ssyncset.done $0x0  }
0x93: {  	[sflag:s9] =	ssyncadd.s32 $0xFFFFC000  }
0x94: {  	_ =	swait.ge [sflag:s9], $0x800  }
0x95: {  	[sflag:s9] =	ssyncset.done $0x0  }
0x96: {  	s0 =	rddreg [dreg:$0x4];
	[sflag:s9] =	ssyncadd.s32 $0xFFFFF800  }
0x97: {  	[hbm4b:s0+s2] =	stream.linear.scatter [tilespmem:s6], [sflag:$0x3], $0xC800, $0x38;
	[tilespmem:$0x19680] =	vst v63  }
0x98: {  	_ =	swait.ge [sflag:s3], $0xC800  }
0x99: {  	[sflag:s3] =	ssyncset.done $0x0  }
0x9a: {  	[sflag:s3] =	ssyncadd.s32 $0xFFFF3800  }
0x9b: {  	[tilespmem:s6], [sflag:$0x1] =	stream.indirect.gather [hbm4b:s4+s8], $0x80, s21, s8, $0xb8;
	[tilespmem:$0x19680] =	vst v63  }
0x9c: {  	_ = 	snop  }
0x9d: {  	[tilespmem:s14], [sflag:$0x1] =	stream.indirect.gather [hbm4b:s4+s8], $0x80, s22, s8, $0xb8;
	[tilespmem:$0x19680] =	vst v63  }
0x9e: {  	_ = 	snop  }
0x9f: {  	[tilespmem:s15], [sflag:$0x1] =	stream.indirect.gather [hbm4b:s4+s8], $0x80, s23, s8, $0xb8;
	[tilespmem:$0x19680] =	vst v63  }
0xa0: {  	_ = 	snop  }
0xa1: {  	[tilespmem:s16], [sflag:$0x1] =	stream.indirect.gather [hbm4b:s4+s10], $0x80, s24, s10, $0xb8;
	[tilespmem:$0x19680] =	vst v63  }
0xa2: {  	_ =	swait.ge [sflag:s7], $0x4000  }
0xa3: {  	[sflag:s7] =	ssyncset.done $0x0  }
0xa4: {  	[sflag:s7] =	ssyncadd.s32 $0xFFFFC000  }
0xa5: {  	_ =	swait.ge [sflag:s7], $0x4000  }
0xa6: {  	[sflag:s7] =	ssyncset.done $0x0  }
0xa7: {  	[sflag:s7] =	ssyncadd.s32 $0xFFFFC000  }
0xa8: {  	_ =	swait.ge [sflag:s7], $0x4000  }
0xa9: {  	[sflag:s7] =	ssyncset.done $0x0  }
0xaa: {  	[sflag:s7] =	ssyncadd.s32 $0xFFFFC000  }
0xab: {  	_ =	swait.ge [sflag:s7], $0x800  }
0xac: {  	[sflag:s7] =	ssyncset.done $0x0  }
0xad: {  	s0 =	rddreg [dreg:$0x5];
	[sflag:s7] =	ssyncadd.s32 $0xFFFFF800  }
0xae: {  	[hbm4b:s0+s2] =	stream.linear.scatter [tilespmem:s5], [sflag:$0x3], $0xC800, $0x38;
	[tilespmem:$0x19680] =	vst v63  }
0xaf: {  	_ =	swait.ge [sflag:s3], $0xC800  }
0xb0: {  	[sflag:s3] =	ssyncset.done $0x0  }
0xb1: {  	[sflag:s3] =	ssyncadd.s32 $0xFFFF3800  }
0xb2: {  	[tilespmem:s5], [sflag:$0x2] =	stream.indirect.gather [hbm4b:s4+s8], $0x80, s17, s8, $0xb8;
	[tilespmem:$0x19680] =	vst v63  }
0xb3: {  	_ = 	snop  }
0xb4: {  	[tilespmem:s11], [sflag:$0x2] =	stream.indirect.gather [hbm4b:s4+s8], $0x80, s18, s8, $0xb8;
	[tilespmem:$0x19680] =	vst v63  }
0xb5: {  	_ = 	snop  }
0xb6: {  	[tilespmem:s12], [sflag:$0x2] =	stream.indirect.gather [hbm4b:s4+s8], $0x80, s19, s8, $0xb8;
	[tilespmem:$0x19680] =	vst v63  }
0xb7: {  	_ = 	snop  }
0xb8: {  	[tilespmem:s13], [sflag:$0x2] =	stream.indirect.gather [hbm4b:s4+s10], $0x80, s20, s10, $0xb8;
	[tilespmem:$0x19680] =	vst v63  }
0xb9: {  	_ =	swait.ge [sflag:s9], $0x4000  }
0xba: {  	[sflag:s9] =	ssyncset.done $0x0  }
0xbb: {  	[sflag:s9] =	ssyncadd.s32 $0xFFFFC000  }
0xbc: {  	_ =	swait.ge [sflag:s9], $0x4000  }
0xbd: {  	[sflag:s9] =	ssyncset.done $0x0  }
0xbe: {  	[sflag:s9] =	ssyncadd.s32 $0xFFFFC000  }
0xbf: {  	_ =	swait.ge [sflag:s9], $0x4000  }
0xc0: {  	[sflag:s9] =	ssyncset.done $0x0  }
0xc1: {  	[sflag:s9] =	ssyncadd.s32 $0xFFFFC000  }
0xc2: {  	_ =	swait.ge [sflag:s9], $0x800  }
0xc3: {  	[sflag:s9] =	ssyncset.done $0x0  }
0xc4: {  	s0 =	rddreg [dreg:$0x6];
	[sflag:s9] =	ssyncadd.s32 $0xFFFFF800  }
0xc5: {  	[hbm4b:s0+s2] =	stream.linear.scatter [tilespmem:s6], [sflag:$0x3], $0xC800, $0x38;
	[tilespmem:$0x19680] =	vst v63  }
0xc6: {  	_ =	swait.ge [sflag:s3], $0xC800  }
0xc7: {  	[sflag:s3] =	ssyncset.done $0x0  }
0xc8: {  	[sflag:s3] =	ssyncadd.s32 $0xFFFF3800  }
0xc9: {  	_ =	swait.ge [sflag:s7], $0x4000  }
0xca: {  	[sflag:s7] =	ssyncset.done $0x0  }
0xcb: {  	[sflag:s7] =	ssyncadd.s32 $0xFFFFC000  }
0xcc: {  	_ =	swait.ge [sflag:s7], $0x4000  }
0xcd: {  	[sflag:s7] =	ssyncset.done $0x0  }
0xce: {  	[sflag:s7] =	ssyncadd.s32 $0xFFFFC000  }
0xcf: {  	_ =	swait.ge [sflag:s7], $0x4000  }
0xd0: {  	[sflag:s7] =	ssyncset.done $0x0  }
0xd1: {  	[sflag:s7] =	ssyncadd.s32 $0xFFFFC000  }
0xd2: {  	p1 =	sne.s32 s1, $0x1;
	_ =	swait.ge [sflag:s7], $0x800  }
.Ltmp2:
0xd3: {  	[sflag:s7] =	ssyncset.done $0x0;
	(pc) =	sbr.rel @p1 .LBB2_2-.Ltmp2, $4  }
0xd4: {  	s0 =	rddreg [dreg:$0x7];
	[sflag:s7] =	ssyncadd.s32 $0xFFFFF800  }
0xd5: {  	[hbm4b:s0+s2] =	stream.linear.scatter [tilespmem:s5], [sflag:$0x3], $0xC800, $0x38;
	[tilespmem:$0x19680] =	vst v63  }
0xd6: {  	_ =	swait.ge [sflag:s3], $0xC800  }
0xd7: {  	s1 =	sadd.s32 $0xFFFFFFFF, s1;
	s0 =	rddreg [dreg:$0x3];
	[sflag:s3] =	ssyncset.done $0x0  }
.LBB2_3:
0xd8: {  	[sflag:s3] =	ssyncadd.s32 @p0 $0xFFFF3800  }
0xd9: {  	[tilespmem:s2], [sflag:$0x3] =	stream.linear.gather [hbm4b:s0+s2], $0x640, $0x38;
	[tilespmem:$0x19680] =	vst v63  }
0xda: {  	_ =	swait.ge [sflag:s3], $0x640  }
0xdb: {  	[sflag:s3] =	ssyncset.done $0x0  }
0xdc: {  	[sflag:s3] =	ssyncadd.s32 $0xFFFFF9C0  }
0xdd: {  	[tilespmem:s6], [sflag:$0x1] =	stream.indirect.gather [hbm4b:s4+s8], $0x80, s2, s8, $0xb8;
	[tilespmem:$0x19680] =	vst v63  }
0xde: {  	_ = 	snop  }
0xdf: {  	[tilespmem:s14], [sflag:$0x1] =	stream.indirect.gather [hbm4b:s4+s8], $0x80, s8, s8, $0xb8;
	[tilespmem:$0x19680] =	vst v63  }
0xe0: {  	_ = 	snop  }
0xe1: {  	[tilespmem:s15], [sflag:$0x1] =	stream.indirect.gather [hbm4b:s4+s8], $0x80, s25, s8, $0xb8;
	[tilespmem:$0x19680] =	vst v63  }
0xe2: {  	_ = 	snop  }
0xe3: {  	[tilespmem:s16], [sflag:$0x1] =	stream.indirect.gather [hbm4b:s4+s10], $0x80, s26, s10, $0xb8;
	[tilespmem:$0x19680] =	vst v63  }
0xe4: {  	_ = 	snop  }
0xe5: {  	[tilespmem:s5], [sflag:$0x2] =	stream.indirect.gather [hbm4b:s4+s8], $0x80, s28, s8, $0xb8;
	[tilespmem:$0x19680] =	vst v63  }
0xe6: {  	_ = 	snop  }
0xe7: {  	[tilespmem:s11], [sflag:$0x2] =	stream.indirect.gather [hbm4b:s4+s8], $0x80, s29, s8, $0xb8;
	[tilespmem:$0x19680] =	vst v63  }
0xe8: {  	_ = 	snop  }
0xe9: {  	[tilespmem:s12], [sflag:$0x2] =	stream.indirect.gather [hbm4b:s4+s8], $0x80, s30, s8, $0xb8;
	[tilespmem:$0x19680] =	vst v63  }
0xea: {  	_ = 	snop  }
0xeb: {  	[tilespmem:s13], [sflag:$0x2] =	stream.indirect.gather [hbm4b:s4+s10], $0x80, s31, s10, $0xb8;
	[tilespmem:$0x19680] =	vst v63  }
0xec: {  	_ =	swait.ge [sflag:s9], $0x4000  }
0xed: {  	[sflag:s9] =	ssyncset.done $0x0  }
0xee: {  	[sflag:s9] =	ssyncadd.s32 $0xFFFFC000  }
0xef: {  	_ =	swait.ge [sflag:s9], $0x4000  }
0xf0: {  	[sflag:s9] =	ssyncset.done $0x0  }
0xf1: {  	[sflag:s9] =	ssyncadd.s32 $0xFFFFC000  }
0xf2: {  	_ =	swait.ge [sflag:s9], $0x4000  }
0xf3: {  	[sflag:s9] =	ssyncset.done $0x0  }
0xf4: {  	[sflag:s9] =	ssyncadd.s32 $0xFFFFC000  }
0xf5: {  	_ =	swait.ge [sflag:s9], $0x800  }
0xf6: {  	[sflag:s9] =	ssyncset.done $0x0  }
0xf7: {  	s26 =	rddreg [dreg:$0x4];
	[sflag:s9] =	ssyncadd.s32 $0xFFFFF800  }
0xf8: {  	[hbm4b:s26+s2] =	stream.linear.scatter [tilespmem:s6], [sflag:$0x3], $0xC800, $0x38;
	[tilespmem:$0x19680] =	vst v63  }
0xf9: {  	_ =	swait.ge [sflag:s3], $0xC800  }
0xfa: {  	[sflag:s3] =	ssyncset.done $0x0  }
0xfb: {  	[sflag:s3] =	ssyncadd.s32 $0xFFFF3800  }
0xfc: {  	[tilespmem:s6], [sflag:$0x1] =	stream.indirect.gather [hbm4b:s4+s8], $0x80, s21, s8, $0xb8;
	[tilespmem:$0x19680] =	vst v63  }
0xfd: {  	_ = 	snop  }
0xfe: {  	[tilespmem:s14], [sflag:$0x1] =	stream.indirect.gather [hbm4b:s4+s8], $0x80, s22, s8, $0xb8;
	[tilespmem:$0x19680] =	vst v63  }
0xff: {  	_ = 	snop  }
0x100: {  	[tilespmem:s15], [sflag:$0x1] =	stream.indirect.gather [hbm4b:s4+s8], $0x80, s23, s8, $0xb8;
	[tilespmem:$0x19680] =	vst v63  }
0x101: {  	_ = 	snop  }
0x102: {  	[tilespmem:s16], [sflag:$0x1] =	stream.indirect.gather [hbm4b:s4+s10], $0x80, s24, s10, $0xb8;
	[tilespmem:$0x19680] =	vst v63  }
0x103: {  	_ =	swait.ge [sflag:s7], $0x4000  }
0x104: {  	[sflag:s7] =	ssyncset.done $0x0  }
0x105: {  	[sflag:s7] =	ssyncadd.s32 $0xFFFFC000  }
0x106: {  	_ =	swait.ge [sflag:s7], $0x4000  }
0x107: {  	[sflag:s7] =	ssyncset.done $0x0  }
0x108: {  	[sflag:s7] =	ssyncadd.s32 $0xFFFFC000  }
0x109: {  	_ =	swait.ge [sflag:s7], $0x4000  }
0x10a: {  	[sflag:s7] =	ssyncset.done $0x0  }
0x10b: {  	[sflag:s7] =	ssyncadd.s32 $0xFFFFC000  }
0x10c: {  	_ =	swait.ge [sflag:s7], $0x800  }
0x10d: {  	[sflag:s7] =	ssyncset.done $0x0  }
0x10e: {  	s28 =	rddreg [dreg:$0x5];
	[sflag:s7] =	ssyncadd.s32 $0xFFFFF800  }
0x10f: {  	[hbm4b:s28+s2] =	stream.linear.scatter [tilespmem:s5], [sflag:$0x3], $0xC800, $0x38;
	[tilespmem:$0x19680] =	vst v63  }
0x110: {  	_ =	swait.ge [sflag:s3], $0xC800  }
0x111: {  	[sflag:s3] =	ssyncset.done $0x0  }
0x112: {  	[sflag:s3] =	ssyncadd.s32 $0xFFFF3800  }
0x113: {  	[tilespmem:s5], [sflag:$0x2] =	stream.indirect.gather [hbm4b:s4+s8], $0x80, s17, s8, $0xb8;
	[tilespmem:$0x19680] =	vst v63  }
0x114: {  	_ = 	snop  }
0x115: {  	[tilespmem:s11], [sflag:$0x2] =	stream.indirect.gather [hbm4b:s4+s8], $0x80, s18, s8, $0xb8;
	[tilespmem:$0x19680] =	vst v63  }
0x116: {  	_ = 	snop  }
0x117: {  	[tilespmem:s12], [sflag:$0x2] =	stream.indirect.gather [hbm4b:s4+s8], $0x80, s19, s8, $0xb8;
	[tilespmem:$0x19680] =	vst v63  }
0x118: {  	_ = 	snop  }
0x119: {  	[tilespmem:s13], [sflag:$0x2] =	stream.indirect.gather [hbm4b:s4+s10], $0x80, s20, s10, $0xb8;
	[tilespmem:$0x19680] =	vst v63  }
0x11a: {  	_ =	swait.ge [sflag:s9], $0x4000  }
0x11b: {  	[sflag:s9] =	ssyncset.done $0x0  }
0x11c: {  	[sflag:s9] =	ssyncadd.s32 $0xFFFFC000  }
0x11d: {  	_ =	swait.ge [sflag:s9], $0x4000  }
0x11e: {  	[sflag:s9] =	ssyncset.done $0x0  }
0x11f: {  	[sflag:s9] =	ssyncadd.s32 $0xFFFFC000  }
0x120: {  	_ =	swait.ge [sflag:s9], $0x4000  }
0x121: {  	[sflag:s9] =	ssyncset.done $0x0  }
0x122: {  	[sflag:s9] =	ssyncadd.s32 $0xFFFFC000  }
0x123: {  	_ =	swait.ge [sflag:s9], $0x800  }
0x124: {  	[sflag:s9] =	ssyncset.done $0x0  }
0x125: {  	s29 =	rddreg [dreg:$0x6];
	[sflag:s9] =	ssyncadd.s32 $0xFFFFF800  }
0x126: {  	[hbm4b:s29+s2] =	stream.linear.scatter [tilespmem:s6], [sflag:$0x3], $0xC800, $0x38;
	[tilespmem:$0x19680] =	vst v63  }
0x127: {  	_ =	swait.ge [sflag:s3], $0xC800  }
0x128: {  	[sflag:s3] =	ssyncset.done $0x0  }
0x129: {  	[sflag:s3] =	ssyncadd.s32 $0xFFFF3800  }
0x12a: {  	_ =	swait.ge [sflag:s7], $0x4000  }
0x12b: {  	[sflag:s7] =	ssyncset.done $0x0  }
0x12c: {  	[sflag:s7] =	ssyncadd.s32 $0xFFFFC000  }
0x12d: {  	_ =	swait.ge [sflag:s7], $0x4000  }
0x12e: {  	[sflag:s7] =	ssyncset.done $0x0  }
0x12f: {  	[sflag:s7] =	ssyncadd.s32 $0xFFFFC000  }
0x130: {  	_ =	swait.ge [sflag:s7], $0x4000  }
0x131: {  	[sflag:s7] =	ssyncset.done $0x0  }
0x132: {  	[sflag:s7] =	ssyncadd.s32 $0xFFFFC000  }
0x133: {  	_ =	swait.ge [sflag:s7], $0x800  }
0x134: {  	[sflag:s7] =	ssyncset.done $0x0  }
0x135: {  	s30 =	rddreg [dreg:$0x7];
	[sflag:s7] =	ssyncadd.s32 $0xFFFFF800  }
0x136: {  	[hbm4b:s30+s2] =	stream.linear.scatter [tilespmem:s5], [sflag:$0x3], $0xC800, $0x38;
	[tilespmem:$0x19680] =	vst v63  }
0x137: {  	_ =	swait.ge [sflag:s3], $0xC800  }
0x138: {  	[sflag:s3] =	ssyncset.done $0x0  }
0x139: {  	[sflag:s3] =	ssyncadd.s32 $0xFFFF3800  }
0x13a: {  	_ =	sfence.sel $0x180000  }
0x13b: {  	[bflag:$0x0] =	sbarrier.arrive $0xFFFF  }
0x13c: {  	_ =	strace $0x90000047  }
0x13d: {  	s31 =	stileid.u32;
	[bflag:$0x2] =	sbarrier.arrive $0xFFFF  }
0x13e: {  	p0 =	sne.s32 s31, $0x0;
	s0 =	rddreg [dreg:$0x2]  }
0x13f: {  	s0 =	sadd.s32 @!p0 $0x100000, s0  }
0x140: {  	[sflag:s0] =	ssyncadd.tile.s32 @!p0 $0x1;
	_ =	shalt  }
.Lfunc_end2:
_tile_overlayer_lowered:
.L_overlay_start_2:
0x141: {  	(tag) =	ssettag $0x2  }
0x142: {  	s0 =	rddreg [dreg:$0x0];
	s2 =	stileid.u32  }
0x143: {  	s1 =	rddreg [dreg:$0x1];
	p0 =	sne.s32 s2, $0x0  }
0x144: {  	s3 =	rddreg [dreg:$0x2];
	[bflag:$0x3] =	sbarrier.arrive $0xFFFF;
	s2 =	simm.s32 @!p0 $0x1C03  }
0x145: {  	[timem:s3], [sflag:s2] =	dma.local @!p0 [hbm:s0], s1  }
0x146: {  	s0 =	simm.s32 @!p0 $0x3  }
0x147: {  	_ =	swait.ge @!p0 [sflag:s0], s1  }
0x148: {  	s1 =	ssub.s32 @!p0 $0x0, s1;
	[sflag:s0] =	ssyncset.done @!p0 $0x0  }
0x149: {  	[sflag:s0] =	ssyncadd.s32 @!p0 s1  }
0x14a: {  	[bflag:$0x3] =	sbarrier.arrive $0xFFFF  }
0x14b: {  	_ =	shalt  }

</sc_bundles>
